<compile_context>
chip_gen: v7x
topology: tpu7x:2x2x1
jax: 0.10.2.dev20260603
libtpu: 0.0.44.dev20260713+nightly
codegen_flags: <defaults>
</compile_context>

<pallas_src>
import dataclasses

import jax
import jax.numpy as jnp
from jax import lax
from jax.experimental import pallas as pl
from jax.experimental.pallas import tpu as pltpu
from jax.experimental.pallas import tpu_sc as plsc

_V = 65536
_NNZ = 4294967
_ALPHA = 0.1

_W = 3072
_NWIN = _NNZ // _W
_MAIN = _NWIN * _W
_TA_BASE = _MAIN
_TA_LEN = ((_NNZ - _MAIN) // 16) * 16
_TB_BASE = _TA_BASE + _TA_LEN
_TB_LEN = _NNZ - _TB_BASE

_NC = 2
_NS = 16
_NW = _NC * _NS
_WINS_PER_W = -(-_NWIN // _NW)
_SLICE = _V // _NS
_HI_MASK = -65536


def _issue_window(rows_hbm, cols_hbm, vals_hbm, rb, cb, vb, sem, base):
  pltpu.async_copy(rows_hbm.at[pl.ds(base, _W)], rb, sem)
  pltpu.async_copy(cols_hbm.at[pl.ds(base, _W)], cb, sem)
  pltpu.async_copy(vals_hbm.at[pl.ds(base, _W)], vb, sem)


def _wait_window(rows_hbm, cols_hbm, vals_hbm, rb, cb, vb, sem, base):
  pltpu.make_async_copy(rows_hbm.at[pl.ds(base, _W)], rb, sem).wait()
  pltpu.make_async_copy(cols_hbm.at[pl.ds(base, _W)], cb, sem).wait()
  pltpu.make_async_copy(vals_hbm.at[pl.ds(base, _W)], vb, sem).wait()


def _spmv_one(i, rows_ref, cols_ref, vals_ref, packed_ref, acc_ref):
  cols = cols_ref[pl.ds(i, 16)]
  rows = rows_ref[pl.ds(i, 16)]
  vals = vals_ref[pl.ds(i, 16)]
  word = plsc.load_gather(packed_ref,
                          [lax.bitwise_and(cols, jnp.int32(_V // 2 - 1))])
  hi = lax.bitwise_and(word, jnp.int32(_HI_MASK))
  lo = lax.shift_left(word, 16)
  g32 = jnp.where(lax.shift_right_logical(cols, 15) == 1, hi, lo)
  prod = plsc.bitcast(g32, jnp.float32) * vals
  plsc.addupdate_scatter(acc_ref, [rows], prod)


_UNROLL = 8


def _spmv_vregs(n, rows_ref, cols_ref, vals_ref, packed_ref, acc_ref):

  @plsc.parallel_loop(0, n, step=16, unroll=_UNROLL)
  def _(i):
    _spmv_one(i, rows_ref, cols_ref, vals_ref, packed_ref, acc_ref)


def _sc_body(packed_hbm, rows_hbm, cols_hbm, vals_hbm, part_hbm, red_hbm,
             packed_v, acc_v, red_v,
             rows0, cols0, vals0, rows1, cols1, vals1, rows2, cols2, vals2,
             idx16, r16, c16, v16,
             sem0, sem1, sem2):
  cid = lax.axis_index("c")
  sid = lax.axis_index("s")
  wid = sid * _NC + cid

  pltpu.async_copy(packed_hbm, packed_v, sem0)

  @pl.loop(0, _V, step=64)
  def _(i):
    acc_v[pl.ds(i, 16)] = jnp.zeros((16,), jnp.float32)
    acc_v[pl.ds(i + 16, 16)] = jnp.zeros((16,), jnp.float32)
    acc_v[pl.ds(i + 32, 16)] = jnp.zeros((16,), jnp.float32)
    acc_v[pl.ds(i + 48, 16)] = jnp.zeros((16,), jnp.float32)

  pltpu.make_async_copy(packed_hbm, packed_v, sem0).wait()

  bufs = ((rows0, cols0, vals0, sem0), (rows1, cols1, vals1, sem1),
          (rows2, cols2, vals2, sem2))
  nbuf = len(bufs)
  wins_loop = -(-_WINS_PER_W // nbuf) * nbuf

  def win_base(k):
    return jnp.minimum(wid + k * _NW, _NWIN - 1) * _W

  for b in range(nbuf):
    rb, cb, vb, sem = bufs[b]
    _issue_window(rows_hbm, cols_hbm, vals_hbm, rb, cb, vb, sem, win_base(b))

  @pl.loop(0, wins_loop, step=nbuf)
  def _(k):
    for b in range(nbuf):
      kk = k + b
      rb, cb, vb, sem = bufs[b]
      _wait_window(rows_hbm, cols_hbm, vals_hbm, rb, cb, vb, sem,
                   win_base(kk))

      @pl.when(wid + kk * _NW < _NWIN)
      def _():
        _spmv_vregs(_W, rb, cb, vb, packed_v, acc_v)

      @pl.when(kk + nbuf < wins_loop)
      def _():
        _issue_window(rows_hbm, cols_hbm, vals_hbm, rb, cb, vb, sem,
                      win_base(kk + nbuf))

  @pl.when(wid == _NW - 1)
  def _():
    pltpu.sync_copy(rows_hbm.at[pl.ds(_TA_BASE, _TA_LEN)],
                    rows0.at[pl.ds(0, _TA_LEN)])
    pltpu.sync_copy(cols_hbm.at[pl.ds(_TA_BASE, _TA_LEN)],
                    cols0.at[pl.ds(0, _TA_LEN)])
    pltpu.sync_copy(vals_hbm.at[pl.ds(_TA_BASE, _TA_LEN)],
                    vals0.at[pl.ds(0, _TA_LEN)])
    _spmv_vregs(_TA_LEN, rows0, cols0, vals0, packed_v, acc_v)

  @pl.when(wid == _NW - 2)
  def _():
    lane = lax.iota(jnp.int32, 16)
    idx16[...] = jnp.minimum(lane + _TB_BASE, _NNZ - 1)
    pltpu.sync_copy(rows_hbm.at[idx16], r16)
    pltpu.sync_copy(cols_hbm.at[idx16], c16)
    pltpu.sync_copy(vals_hbm.at[idx16], v16)
    v16[...] = jnp.where(lane < _TB_LEN, v16[...], 0.0)
    _spmv_vregs(16, r16, c16, v16, packed_v, acc_v)

  pltpu.sync_copy(acc_v, part_hbm.at[cid, sid])
  plsc.subcore_barrier()

  chunk = sid * _SLICE
  for j in range(_NS):
    pltpu.async_copy(part_hbm.at[cid, j, pl.ds(chunk, _SLICE)],
                     acc_v.at[pl.ds(j * _SLICE, _SLICE)], sem0)
  for j in range(_NS):
    pltpu.make_async_copy(part_hbm.at[cid, j, pl.ds(chunk, _SLICE)],
                          acc_v.at[pl.ds(j * _SLICE, _SLICE)], sem0).wait()

  @plsc.parallel_loop(0, _SLICE, step=16, unroll=4)
  def _(i):
    s = acc_v[pl.ds(i, 16)]
    for j in range(1, _NS):
      s = s + acc_v[pl.ds(j * _SLICE + i, 16)]
    red_v[pl.ds(i, 16)] = s

  pltpu.sync_copy(red_v, red_hbm.at[cid, pl.ds(chunk, _SLICE)])


def _sc_compiler_params():
  cp = pltpu.CompilerParams()
  if "needs_layout_passes" in pltpu.CompilerParams.__dataclass_fields__:
    cp = dataclasses.replace(cp, needs_layout_passes=False)
  return cp


def _sc_spmv(packed, rows, cols, vals):
  kern = pl.kernel(
      _sc_body,
      out_type=(
          jax.ShapeDtypeStruct((_NC, _NS, _V), jnp.float32),
          jax.ShapeDtypeStruct((_NC, _V), jnp.float32),
      ),
      mesh=plsc.VectorSubcoreMesh(core_axis_name="c", subcore_axis_name="s"),
      compiler_params=_sc_compiler_params(),
      scratch_types=[
          pltpu.VMEM((_V // 2,), jnp.int32),
          pltpu.VMEM((_V,), jnp.float32),
          pltpu.VMEM((_SLICE,), jnp.float32),
          pltpu.VMEM((_W,), jnp.int32),
          pltpu.VMEM((_W,), jnp.int32),
          pltpu.VMEM((_W,), jnp.float32),
          pltpu.VMEM((_W,), jnp.int32),
          pltpu.VMEM((_W,), jnp.int32),
          pltpu.VMEM((_W,), jnp.float32),
          pltpu.VMEM((_W,), jnp.int32),
          pltpu.VMEM((_W,), jnp.int32),
          pltpu.VMEM((_W,), jnp.float32),
          pltpu.VMEM((16,), jnp.int32),
          pltpu.VMEM((16,), jnp.int32),
          pltpu.VMEM((16,), jnp.int32),
          pltpu.VMEM((16,), jnp.float32),
          pltpu.SemaphoreType.DMA,
          pltpu.SemaphoreType.DMA,
          pltpu.SemaphoreType.DMA,
      ],
  )
  return kern(packed, rows, cols, vals)


def _combine_body(p_ref, l_ref, o_ref):
  o_ref[...] = p_ref[0] + p_ref[1] - _ALPHA * l_ref[...]


@jax.jit
def kernel(logits, S_rows, S_cols, S_vals):
  bits = lax.add(lax.bitcast_convert_type(logits, jnp.int32),
                 jnp.int32(0x8000))
  packed = lax.bitwise_or(
      lax.shift_right_logical(lax.slice(bits, (0,), (_V // 2,)), 16),
      lax.bitwise_and(lax.slice(bits, (_V // 2,), (_V,)),
                      jnp.int32(_HI_MASK)))
  _, red = _sc_spmv(packed, S_rows, S_cols, S_vals)
  out = pl.pallas_call(
      _combine_body,
      out_shape=jax.ShapeDtypeStruct((_V,), jnp.float32),
  )(red, logits)
  return out

# --- scband reference (transcript-rebuilt; emitter-appended) ---
"""Pipeline reference for scband-similarity-redistributor-7911329760049 (READ-ONLY COPY).

The authoritative reference and input builder live on the scoring server;
editing this copy changes nothing except your own understanding.
"""

import jax, jax.numpy as jnp
import numpy as np

V = 65536
NNZ = 4294967
ALPHA = 0.1

def setup_inputs(seed: int = 0) -> dict:
    key = jax.random.key(seed)
    k1, k2, k3, k4 = jax.random.split(key, 4)
    # Sparse similarity matrix S (V, V) in COO form: rows, cols, vals
    S_rows = jax.random.randint(k1, (NNZ,), 0, V, dtype=jnp.int32)
    S_cols = jax.random.randint(k2, (NNZ,), 0, V, dtype=jnp.int32)
    S_vals = jax.random.uniform(k3, (NNZ,), dtype=jnp.float32)
    logits = jax.random.normal(k4, (V,), dtype=jnp.float32)
    return {"logits": logits, "S_rows": S_rows, "S_cols": S_cols, "S_vals": S_vals}

def reference(logits, S_rows, S_cols, S_vals):
    # torch.sparse.mm(S, logits.unsqueeze(-1)).squeeze(-1)  == SpMV
    # out[r] = sum over nnz with row==r of S_vals * logits[col]
    gathered = S_vals * jnp.take(logits, S_cols)
    redistributed = jax.ops.segment_sum(gathered, S_rows, num_segments=V)
    # alpha > 0: demote original logits
    redistributed = redistributed - ALPHA * logits
    return redistributed

if __name__ == "__main__":
    import jax
    _d = setup_inputs()
    print(jax.jit(kernel)(*tuple(_d.values())))

</pallas_src>

<mosaic_0001>
#map = affine_map<(d0, d1) -> (0)>
#map1 = affine_map<(d0, d1) -> (0, 0, 0)>
#map2 = affine_map<(d0, d1) -> (0, 0)>
module attributes {stable_mosaic.version = 14 : i64} {
  func.func @_sc_body(%arg0: i32, %arg1: i32, %arg2: memref<32768xi32, #tpu.memory_space<hbm>>, %arg3: memref<4294967xi32, #tpu.memory_space<hbm>>, %arg4: memref<4294967xi32, #tpu.memory_space<hbm>>, %arg5: memref<4294967xf32, #tpu.memory_space<hbm>>, %arg6: memref<2x16x65536xf32, #tpu.memory_space<hbm>>, %arg7: memref<2x65536xf32, #tpu.memory_space<hbm>>, %arg8: memref<32768xi32, #tpu.memory_space<vmem>>, %arg9: memref<65536xf32, #tpu.memory_space<vmem>>, %arg10: memref<4096xf32, #tpu.memory_space<vmem>>, %arg11: memref<3072xi32, #tpu.memory_space<vmem>>, %arg12: memref<3072xi32, #tpu.memory_space<vmem>>, %arg13: memref<3072xf32, #tpu.memory_space<vmem>>, %arg14: memref<3072xi32, #tpu.memory_space<vmem>>, %arg15: memref<3072xi32, #tpu.memory_space<vmem>>, %arg16: memref<3072xf32, #tpu.memory_space<vmem>>, %arg17: memref<3072xi32, #tpu.memory_space<vmem>>, %arg18: memref<3072xi32, #tpu.memory_space<vmem>>, %arg19: memref<3072xf32, #tpu.memory_space<vmem>>, %arg20: memref<16xi32, #tpu.memory_space<vmem>>, %arg21: memref<16xi32, #tpu.memory_space<vmem>>, %arg22: memref<16xi32, #tpu.memory_space<vmem>>, %arg23: memref<16xf32, #tpu.memory_space<vmem>>, %arg24: memref<!tpu.dma_semaphore, #tpu.memory_space<semaphore_mem>>, %arg25: memref<!tpu.dma_semaphore, #tpu.memory_space<semaphore_mem>>, %arg26: memref<!tpu.dma_semaphore, #tpu.memory_space<semaphore_mem>>) attributes {dimension_semantics = [#tpu.dimension_semantics<core_parallel>, #tpu.dimension_semantics<subcore_parallel>], iteration_bounds = array<i64: 2, 16>, scalar_prefetch = 0 : i64, scratch_operands = 19 : i64, tpu.core_type = #tpu.core_type<sc_vector_subcore>, window_params = [{transform_indices = #map}, {transform_indices = #map}, {transform_indices = #map}, {transform_indices = #map}, {transform_indices = #map1}, {transform_indices = #map2}]} {
    %mul3A = arith.constant 2 : i32
    %mul3A_0 = arith.muli %arg1, %mul3A : i32
    %add3A = arith.addi %mul3A_0, %arg0 : i32
    tpu.enqueue_dma source(%arg2 : memref<32768xi32, #tpu.memory_space<hbm>>) target(%arg8 : memref<32768xi32, #tpu.memory_space<vmem>>) target_semaphore(%arg24 : memref<!tpu.dma_semaphore, #tpu.memory_space<semaphore_mem>>)
    %scan3A = arith.constant 0 : i32
    %scan3A_1 = arith.constant 1024 : i32
    %scan3A_2 = arith.addi %scan3A, %scan3A_1 : i32
    %scan3A_3 = arith.constant 1 : i32
    scf.for %scan3A_342 = %scan3A to %scan3A_2 step %scan3A_3  : i32 {
      %mul3A_343 = arith.constant 64 : i32
      %mul3A_344 = arith.muli %scan3A_342, %mul3A_343 : i32
      %add3A_345 = arith.constant 0 : i32
      %add3A_346 = arith.addi %add3A_345, %mul3A_344 : i32
      %broadcast_in_dim3A = arith.constant 0.000000e+00 : f32
      %broadcast_in_dim3A_347 = vector.broadcast %broadcast_in_dim3A : f32 to vector<16xf32>
      %swap3A = arith.index_cast %add3A_346 : i32 to index
      %swap3A_348 = tpu.vector_load %arg9[%swap3A] {strides = array<i32>} : memref<65536xf32, #tpu.memory_space<vmem>>, vector<16xf32>,
      tpu.vector_store %arg9[%swap3A], %broadcast_in_dim3A_347 {strides = array<i32>} : memref<65536xf32, #tpu.memory_space<vmem>>, vector<16xf32>,
      %broadcast_in_dim3A_349 = arith.constant 0.000000e+00 : f32
      %broadcast_in_dim3A_350 = vector.broadcast %broadcast_in_dim3A_349 : f32 to vector<16xf32>
      %add3A_351 = arith.constant 16 : i32
      %add3A_352 = arith.addi %add3A_346, %add3A_351 : i32
      %swap3A_353 = arith.index_cast %add3A_352 : i32 to index
      %swap3A_354 = tpu.vector_load %arg9[%swap3A_353] {strides = array<i32>} : memref<65536xf32, #tpu.memory_space<vmem>>, vector<16xf32>,
      tpu.vector_store %arg9[%swap3A_353], %broadcast_in_dim3A_350 {strides = array<i32>} : memref<65536xf32, #tpu.memory_space<vmem>>, vector<16xf32>,
      %broadcast_in_dim3A_355 = arith.constant 0.000000e+00 : f32
      %broadcast_in_dim3A_356 = vector.broadcast %broadcast_in_dim3A_355 : f32 to vector<16xf32>
      %add3A_357 = arith.constant 32 : i32
      %add3A_358 = arith.addi %add3A_346, %add3A_357 : i32
      %swap3A_359 = arith.index_cast %add3A_358 : i32 to index
      %swap3A_360 = tpu.vector_load %arg9[%swap3A_359] {strides = array<i32>} : memref<65536xf32, #tpu.memory_space<vmem>>, vector<16xf32>,
      tpu.vector_store %arg9[%swap3A_359], %broadcast_in_dim3A_356 {strides = array<i32>} : memref<65536xf32, #tpu.memory_space<vmem>>, vector<16xf32>,
      %broadcast_in_dim3A_361 = arith.constant 0.000000e+00 : f32
      %broadcast_in_dim3A_362 = vector.broadcast %broadcast_in_dim3A_361 : f32 to vector<16xf32>
      %add3A_363 = arith.constant 48 : i32
      %add3A_364 = arith.addi %add3A_346, %add3A_363 : i32
      %swap3A_365 = arith.index_cast %add3A_364 : i32 to index
      %swap3A_366 = tpu.vector_load %arg9[%swap3A_365] {strides = array<i32>} : memref<65536xf32, #tpu.memory_space<vmem>>, vector<16xf32>,
      tpu.vector_store %arg9[%swap3A_365], %broadcast_in_dim3A_362 {strides = array<i32>} : memref<65536xf32, #tpu.memory_space<vmem>>, vector<16xf32>,
    }
    %scan3A_4 = arith.constant 1024 : i32
    tpu.wait_dma2 semaphore(%arg24 : memref<!tpu.dma_semaphore, #tpu.memory_space<semaphore_mem>>) src(%arg2 : memref<32768xi32, #tpu.memory_space<hbm>>) dst(%arg8 : memref<32768xi32, #tpu.memory_space<vmem>>)
    %add3A_5 = arith.constant 0 : i32
    %add3A_6 = arith.addi %add3A, %add3A_5 : i32
    %min3A = arith.constant 1397 : i32
    %min3A_7 = arith.minsi %add3A_6, %min3A : i32
    %mul3A_8 = arith.constant 3072 : i32
    %mul3A_9 = arith.muli %min3A_7, %mul3A_8 : i32
    %dma_start3A = tpu.memref_slice %arg3[%mul3A_9] : memref<4294967xi32, #tpu.memory_space<hbm>> -> memref<3072xi32, #tpu.memory_space<hbm>>
    %dma_start3A_10 = tpu.memref_slice %arg3[%mul3A_9] : memref<4294967xi32, #tpu.memory_space<hbm>> -> memref<3072xi32, #tpu.memory_space<hbm>>
    tpu.enqueue_dma source(%dma_start3A_10 : memref<3072xi32, #tpu.memory_space<hbm>>) target(%arg11 : memref<3072xi32, #tpu.memory_space<vmem>>) target_semaphore(%arg24 : memref<!tpu.dma_semaphore, #tpu.memory_space<semaphore_mem>>)
    %dma_start3A_11 = tpu.memref_slice %arg4[%mul3A_9] : memref<4294967xi32, #tpu.memory_space<hbm>> -> memref<3072xi32, #tpu.memory_space<hbm>>
    %dma_start3A_12 = tpu.memref_slice %arg4[%mul3A_9] : memref<4294967xi32, #tpu.memory_space<hbm>> -> memref<3072xi32, #tpu.memory_space<hbm>>
    tpu.enqueue_dma source(%dma_start3A_12 : memref<3072xi32, #tpu.memory_space<hbm>>) target(%arg12 : memref<3072xi32, #tpu.memory_space<vmem>>) target_semaphore(%arg24 : memref<!tpu.dma_semaphore, #tpu.memory_space<semaphore_mem>>)
    %dma_start3A_13 = tpu.memref_slice %arg5[%mul3A_9] : memref<4294967xf32, #tpu.memory_space<hbm>> -> memref<3072xf32, #tpu.memory_space<hbm>>
    %dma_start3A_14 = tpu.memref_slice %arg5[%mul3A_9] : memref<4294967xf32, #tpu.memory_space<hbm>> -> memref<3072xf32, #tpu.memory_space<hbm>>
    tpu.enqueue_dma source(%dma_start3A_14 : memref<3072xf32, #tpu.memory_space<hbm>>) target(%arg13 : memref<3072xf32, #tpu.memory_space<vmem>>) target_semaphore(%arg24 : memref<!tpu.dma_semaphore, #tpu.memory_space<semaphore_mem>>)
    %add3A_15 = arith.constant 32 : i32
    %add3A_16 = arith.addi %add3A, %add3A_15 : i32
    %min3A_17 = arith.constant 1397 : i32
    %min3A_18 = arith.minsi %add3A_16, %min3A_17 : i32
    %mul3A_19 = arith.constant 3072 : i32
    %mul3A_20 = arith.muli %min3A_18, %mul3A_19 : i32
    %dma_start3A_21 = tpu.memref_slice %arg3[%mul3A_20] : memref<4294967xi32, #tpu.memory_space<hbm>> -> memref<3072xi32, #tpu.memory_space<hbm>>
    %dma_start3A_22 = tpu.memref_slice %arg3[%mul3A_20] : memref<4294967xi32, #tpu.memory_space<hbm>> -> memref<3072xi32, #tpu.memory_space<hbm>>
    tpu.enqueue_dma source(%dma_start3A_22 : memref<3072xi32, #tpu.memory_space<hbm>>) target(%arg14 : memref<3072xi32, #tpu.memory_space<vmem>>) target_semaphore(%arg25 : memref<!tpu.dma_semaphore, #tpu.memory_space<semaphore_mem>>)
    %dma_start3A_23 = tpu.memref_slice %arg4[%mul3A_20] : memref<4294967xi32, #tpu.memory_space<hbm>> -> memref<3072xi32, #tpu.memory_space<hbm>>
    %dma_start3A_24 = tpu.memref_slice %arg4[%mul3A_20] : memref<4294967xi32, #tpu.memory_space<hbm>> -> memref<3072xi32, #tpu.memory_space<hbm>>
    tpu.enqueue_dma source(%dma_start3A_24 : memref<3072xi32, #tpu.memory_space<hbm>>) target(%arg15 : memref<3072xi32, #tpu.memory_space<vmem>>) target_semaphore(%arg25 : memref<!tpu.dma_semaphore, #tpu.memory_space<semaphore_mem>>)
    %dma_start3A_25 = tpu.memref_slice %arg5[%mul3A_20] : memref<4294967xf32, #tpu.memory_space<hbm>> -> memref<3072xf32, #tpu.memory_space<hbm>>
    %dma_start3A_26 = tpu.memref_slice %arg5[%mul3A_20] : memref<4294967xf32, #tpu.memory_space<hbm>> -> memref<3072xf32, #tpu.memory_space<hbm>>
    tpu.enqueue_dma source(%dma_start3A_26 : memref<3072xf32, #tpu.memory_space<hbm>>) target(%arg16 : memref<3072xf32, #tpu.memory_space<vmem>>) target_semaphore(%arg25 : memref<!tpu.dma_semaphore, #tpu.memory_space<semaphore_mem>>)
    %add3A_27 = arith.constant 64 : i32
    %add3A_28 = arith.addi %add3A, %add3A_27 : i32
    %min3A_29 = arith.constant 1397 : i32
    %min3A_30 = arith.minsi %add3A_28, %min3A_29 : i32
    %mul3A_31 = arith.constant 3072 : i32
    %mul3A_32 = arith.muli %min3A_30, %mul3A_31 : i32
    %dma_start3A_33 = tpu.memref_slice %arg3[%mul3A_32] : memref<4294967xi32, #tpu.memory_space<hbm>> -> memref<3072xi32, #tpu.memory_space<hbm>>
    %dma_start3A_34 = tpu.memref_slice %arg3[%mul3A_32] : memref<4294967xi32, #tpu.memory_space<hbm>> -> memref<3072xi32, #tpu.memory_space<hbm>>
    tpu.enqueue_dma source(%dma_start3A_34 : memref<3072xi32, #tpu.memory_space<hbm>>) target(%arg17 : memref<3072xi32, #tpu.memory_space<vmem>>) target_semaphore(%arg26 : memref<!tpu.dma_semaphore, #tpu.memory_space<semaphore_mem>>)
    %dma_start3A_35 = tpu.memref_slice %arg4[%mul3A_32] : memref<4294967xi32, #tpu.memory_space<hbm>> -> memref<3072xi32, #tpu.memory_space<hbm>>
    %dma_start3A_36 = tpu.memref_slice %arg4[%mul3A_32] : memref<4294967xi32, #tpu.memory_space<hbm>> -> memref<3072xi32, #tpu.memory_space<hbm>>
    tpu.enqueue_dma source(%dma_start3A_36 : memref<3072xi32, #tpu.memory_space<hbm>>) target(%arg18 : memref<3072xi32, #tpu.memory_space<vmem>>) target_semaphore(%arg26 : memref<!tpu.dma_semaphore, #tpu.memory_space<semaphore_mem>>)
    %dma_start3A_37 = tpu.memref_slice %arg5[%mul3A_32] : memref<4294967xf32, #tpu.memory_space<hbm>> -> memref<3072xf32, #tpu.memory_space<hbm>>
    %dma_start3A_38 = tpu.memref_slice %arg5[%mul3A_32] : memref<4294967xf32, #tpu.memory_space<hbm>> -> memref<3072xf32, #tpu.memory_space<hbm>>
    tpu.enqueue_dma source(%dma_start3A_38 : memref<3072xf32, #tpu.memory_space<hbm>>) target(%arg19 : memref<3072xf32, #tpu.memory_space<vmem>>) target_semaphore(%arg26 : memref<!tpu.dma_semaphore, #tpu.memory_space<semaphore_mem>>)
    %scan3A_39 = arith.constant 0 : i32
    %scan3A_40 = arith.constant 15 : i32
    %scan3A_41 = arith.addi %scan3A_39, %scan3A_40 : i32
    %scan3A_42 = arith.constant 1 : i32
    scf.for %scan3A_342 = %scan3A_39 to %scan3A_41 step %scan3A_42  : i32 {
      %mul3A_343 = arith.constant 3 : i32
      %mul3A_344 = arith.muli %scan3A_342, %mul3A_343 : i32
      %add3A_345 = arith.constant 0 : i32
      %add3A_346 = arith.addi %add3A_345, %mul3A_344 : i32
      %add3A_347 = arith.constant 0 : i32
      %add3A_348 = arith.addi %add3A_346, %add3A_347 : i32
      %mul3A_349 = arith.constant 32 : i32
      %mul3A_350 = arith.muli %add3A_348, %mul3A_349 : i32
      %add3A_351 = arith.addi %add3A, %mul3A_350 : i32
      %min3A_352 = arith.constant 1397 : i32
      %min3A_353 = arith.minsi %add3A_351, %min3A_352 : i32
      %mul3A_354 = arith.constant 3072 : i32
      %mul3A_355 = arith.muli %min3A_353, %mul3A_354 : i32
      %dma_wait3A_356 = tpu.memref_slice %arg3[%mul3A_355] : memref<4294967xi32, #tpu.memory_space<hbm>> -> memref<3072xi32, #tpu.memory_space<hbm>>
      %dma_wait3A_357 = tpu.memref_slice %arg3[%mul3A_355] : memref<4294967xi32, #tpu.memory_space<hbm>> -> memref<3072xi32, #tpu.memory_space<hbm>>
      tpu.wait_dma2 semaphore(%arg24 : memref<!tpu.dma_semaphore, #tpu.memory_space<semaphore_mem>>) src(%dma_wait3A_357 : memref<3072xi32, #tpu.memory_space<hbm>>) dst(%arg11 : memref<3072xi32, #tpu.memory_space<vmem>>)
      %dma_wait3A_358 = tpu.memref_slice %arg4[%mul3A_355] : memref<4294967xi32, #tpu.memory_space<hbm>> -> memref<3072xi32, #tpu.memory_space<hbm>>
      %dma_wait3A_359 = tpu.memref_slice %arg4[%mul3A_355] : memref<4294967xi32, #tpu.memory_space<hbm>> -> memref<3072xi32, #tpu.memory_space<hbm>>
      tpu.wait_dma2 semaphore(%arg24 : memref<!tpu.dma_semaphore, #tpu.memory_space<semaphore_mem>>) src(%dma_wait3A_359 : memref<3072xi32, #tpu.memory_space<hbm>>) dst(%arg12 : memref<3072xi32, #tpu.memory_space<vmem>>)
      %dma_wait3A_360 = tpu.memref_slice %arg5[%mul3A_355] : memref<4294967xf32, #tpu.memory_space<hbm>> -> memref<3072xf32, #tpu.memory_space<hbm>>
      %dma_wait3A_361 = tpu.memref_slice %arg5[%mul3A_355] : memref<4294967xf32, #tpu.memory_space<hbm>> -> memref<3072xf32, #tpu.memory_space<hbm>>
      tpu.wait_dma2 semaphore(%arg24 : memref<!tpu.dma_semaphore, #tpu.memory_space<semaphore_mem>>) src(%dma_wait3A_361 : memref<3072xf32, #tpu.memory_space<hbm>>) dst(%arg13 : memref<3072xf32, #tpu.memory_space<vmem>>)
      %mul3A_362 = arith.constant 32 : i32
      %mul3A_363 = arith.muli %add3A_348, %mul3A_362 : i32
      %add3A_364 = arith.addi %add3A, %mul3A_363 : i32
      %lt3A = arith.constant 1398 : i32
      %lt3A_365 = arith.cmpi slt, %add3A_364, %lt3A : i32
      %convert_element_type3A_366 = arith.extui %lt3A_365 : i1 to i32
      %cond3A_367 = arith.constant 0 : i32
      %cond3A_368 = arith.cmpi ne, %convert_element_type3A_366, %cond3A_367 : i32
      scf.if %cond3A_368 {
        %parallel_loop3A_436 = arith.constant 0 : i32
        %parallel_loop3A_437 = arith.constant 3072 : i32
        %parallel_loop3A_438 = arith.constant 16 : i32
        scf.for %parallel_loop3A_439 = %parallel_loop3A_436 to %parallel_loop3A_437 step %parallel_loop3A_438  : i32 {
          %parallel_loop3A_440 = arith.index_cast %parallel_loop3A_439 : i32 to index
          %parallel_loop3A_441 = tpu.vector_load %arg12[%parallel_loop3A_440] {strides = array<i32>} : memref<3072xi32, #tpu.memory_space<vmem>>, vector<16xi32>,
          %parallel_loop3A_442 = arith.index_cast %parallel_loop3A_439 : i32 to index
          %parallel_loop3A_443 = tpu.vector_load %arg11[%parallel_loop3A_442] {strides = array<i32>} : memref<3072xi32, #tpu.memory_space<vmem>>, vector<16xi32>,
          %parallel_loop3A_444 = arith.index_cast %parallel_loop3A_439 : i32 to index
          %parallel_loop3A_445 = tpu.vector_load %arg13[%parallel_loop3A_444] {strides = array<i32>} : memref<3072xf32, #tpu.memory_space<vmem>>, vector<16xf32>,
          %parallel_loop3A_446 = arith.constant 32767 : i32
          %parallel_loop3A_447 = vector.broadcast %parallel_loop3A_446 : i32 to vector<16xi32>
          %parallel_loop3A_448 = arith.andi %parallel_loop3A_441, %parallel_loop3A_447 : vector<16xi32>
          %parallel_loop3A_449 = tpu.vector_load_idx %arg8[%parallel_loop3A_448] : memref<32768xi32, #tpu.memory_space<vmem>>[vector<16xi32>], vector<16xi32>,
          %parallel_loop3A_450 = arith.constant -65536 : i32
          %parallel_loop3A_451 = vector.broadcast %parallel_loop3A_450 : i32 to vector<16xi32>
          %parallel_loop3A_452 = arith.andi %parallel_loop3A_449, %parallel_loop3A_451 : vector<16xi32>
          %parallel_loop3A_453 = arith.constant 16 : i32
          %parallel_loop3A_454 = vector.broadcast %parallel_loop3A_453 : i32 to vector<16xi32>
          %parallel_loop3A_455 = arith.shli %parallel_loop3A_449, %parallel_loop3A_454 : vector<16xi32>
          %parallel_loop3A_456 = arith.constant 15 : i32
          %parallel_loop3A_457 = vector.broadcast %parallel_loop3A_456 : i32 to vector<16xi32>
          %parallel_loop3A_458 = arith.shrui %parallel_loop3A_441, %parallel_loop3A_457 : vector<16xi32>
          %parallel_loop3A_459 = arith.constant 1 : i32
          %parallel_loop3A_460 = vector.broadcast %parallel_loop3A_459 : i32 to vector<16xi32>
          %parallel_loop3A_461 = arith.cmpi eq, %parallel_loop3A_458, %parallel_loop3A_460 : vector<16xi32>
          %parallel_loop3A_462 = arith.select %parallel_loop3A_461, %parallel_loop3A_452, %parallel_loop3A_455 : vector<16xi1>, vector<16xi32>
          %parallel_loop3A_463 = vector.bitcast %parallel_loop3A_462 : vector<16xi32> to vector<16xf32>
          %parallel_loop3A_464 = arith.mulf %parallel_loop3A_463, %parallel_loop3A_445 : vector<16xf32>
          tpu.vector_store_idx %arg9[%parallel_loop3A_443], %parallel_loop3A_464 {add = true} : memref<65536xf32, #tpu.memory_space<vmem>>[vector<16xi32>], vector<16xf32>,
        } {sc.loop_unroll_factor = 8 : i64, sc.parallel_access}
      } else {
      }
      %add3A_369 = arith.constant 3 : i32
      %add3A_370 = arith.addi %add3A_348, %add3A_369 : i32
      %lt3A_371 = arith.constant 45 : i32
      %lt3A_372 = arith.cmpi slt, %add3A_370, %lt3A_371 : i32
      %convert_element_type3A_373 = arith.extui %lt3A_372 : i1 to i32
      %cond3A_374 = arith.constant 0 : i32
      %cond3A_375 = arith.cmpi ne, %convert_element_type3A_373, %cond3A_374 : i32
      scf.if %cond3A_375 {
        %add3A_436 = arith.constant 3 : i32
        %add3A_437 = arith.addi %add3A_348, %add3A_436 : i32
        %mul3A_438 = arith.constant 32 : i32
        %mul3A_439 = arith.muli %add3A_437, %mul3A_438 : i32
        %add3A_440 = arith.addi %add3A, %mul3A_439 : i32
        %min3A_441 = arith.constant 1397 : i32
        %min3A_442 = arith.minsi %add3A_440, %min3A_441 : i32
        %mul3A_443 = arith.constant 3072 : i32
        %mul3A_444 = arith.muli %min3A_442, %mul3A_443 : i32
        %dma_start3A_445 = tpu.memref_slice %arg3[%mul3A_444] : memref<4294967xi32, #tpu.memory_space<hbm>> -> memref<3072xi32, #tpu.memory_space<hbm>>
        %dma_start3A_446 = tpu.memref_slice %arg3[%mul3A_444] : memref<4294967xi32, #tpu.memory_space<hbm>> -> memref<3072xi32, #tpu.memory_space<hbm>>
        tpu.enqueue_dma source(%dma_start3A_446 : memref<3072xi32, #tpu.memory_space<hbm>>) target(%arg11 : memref<3072xi32, #tpu.memory_space<vmem>>) target_semaphore(%arg24 : memref<!tpu.dma_semaphore, #tpu.memory_space<semaphore_mem>>)
        %dma_start3A_447 = tpu.memref_slice %arg4[%mul3A_444] : memref<4294967xi32, #tpu.memory_space<hbm>> -> memref<3072xi32, #tpu.memory_space<hbm>>
        %dma_start3A_448 = tpu.memref_slice %arg4[%mul3A_444] : memref<4294967xi32, #tpu.memory_space<hbm>> -> memref<3072xi32, #tpu.memory_space<hbm>>
        tpu.enqueue_dma source(%dma_start3A_448 : memref<3072xi32, #tpu.memory_space<hbm>>) target(%arg12 : memref<3072xi32, #tpu.memory_space<vmem>>) target_semaphore(%arg24 : memref<!tpu.dma_semaphore, #tpu.memory_space<semaphore_mem>>)
        %dma_start3A_449 = tpu.memref_slice %arg5[%mul3A_444] : memref<4294967xf32, #tpu.memory_space<hbm>> -> memref<3072xf32, #tpu.memory_space<hbm>>
        %dma_start3A_450 = tpu.memref_slice %arg5[%mul3A_444] : memref<4294967xf32, #tpu.memory_space<hbm>> -> memref<3072xf32, #tpu.memory_space<hbm>>
        tpu.enqueue_dma source(%dma_start3A_450 : memref<3072xf32, #tpu.memory_space<hbm>>) target(%arg13 : memref<3072xf32, #tpu.memory_space<vmem>>) target_semaphore(%arg24 : memref<!tpu.dma_semaphore, #tpu.memory_space<semaphore_mem>>)
      } else {
      }
      %add3A_376 = arith.constant 1 : i32
      %add3A_377 = arith.addi %add3A_346, %add3A_376 : i32
      %mul3A_378 = arith.constant 32 : i32
      %mul3A_379 = arith.muli %add3A_377, %mul3A_378 : i32
      %add3A_380 = arith.addi %add3A, %mul3A_379 : i32
      %min3A_381 = arith.constant 1397 : i32
      %min3A_382 = arith.minsi %add3A_380, %min3A_381 : i32
      %mul3A_383 = arith.constant 3072 : i32
      %mul3A_384 = arith.muli %min3A_382, %mul3A_383 : i32
      %dma_wait3A_385 = tpu.memref_slice %arg3[%mul3A_384] : memref<4294967xi32, #tpu.memory_space<hbm>> -> memref<3072xi32, #tpu.memory_space<hbm>>
      %dma_wait3A_386 = tpu.memref_slice %arg3[%mul3A_384] : memref<4294967xi32, #tpu.memory_space<hbm>> -> memref<3072xi32, #tpu.memory_space<hbm>>
      tpu.wait_dma2 semaphore(%arg25 : memref<!tpu.dma_semaphore, #tpu.memory_space<semaphore_mem>>) src(%dma_wait3A_386 : memref<3072xi32, #tpu.memory_space<hbm>>) dst(%arg14 : memref<3072xi32, #tpu.memory_space<vmem>>)
      %dma_wait3A_387 = tpu.memref_slice %arg4[%mul3A_384] : memref<4294967xi32, #tpu.memory_space<hbm>> -> memref<3072xi32, #tpu.memory_space<hbm>>
      %dma_wait3A_388 = tpu.memref_slice %arg4[%mul3A_384] : memref<4294967xi32, #tpu.memory_space<hbm>> -> memref<3072xi32, #tpu.memory_space<hbm>>
      tpu.wait_dma2 semaphore(%arg25 : memref<!tpu.dma_semaphore, #tpu.memory_space<semaphore_mem>>) src(%dma_wait3A_388 : memref<3072xi32, #tpu.memory_space<hbm>>) dst(%arg15 : memref<3072xi32, #tpu.memory_space<vmem>>)
      %dma_wait3A_389 = tpu.memref_slice %arg5[%mul3A_384] : memref<4294967xf32, #tpu.memory_space<hbm>> -> memref<3072xf32, #tpu.memory_space<hbm>>
      %dma_wait3A_390 = tpu.memref_slice %arg5[%mul3A_384] : memref<4294967xf32, #tpu.memory_space<hbm>> -> memref<3072xf32, #tpu.memory_space<hbm>>
      tpu.wait_dma2 semaphore(%arg25 : memref<!tpu.dma_semaphore, #tpu.memory_space<semaphore_mem>>) src(%dma_wait3A_390 : memref<3072xf32, #tpu.memory_space<hbm>>) dst(%arg16 : memref<3072xf32, #tpu.memory_space<vmem>>)
      %mul3A_391 = arith.constant 32 : i32
      %mul3A_392 = arith.muli %add3A_377, %mul3A_391 : i32
      %add3A_393 = arith.addi %add3A, %mul3A_392 : i32
      %lt3A_394 = arith.constant 1398 : i32
      %lt3A_395 = arith.cmpi slt, %add3A_393, %lt3A_394 : i32
      %convert_element_type3A_396 = arith.extui %lt3A_395 : i1 to i32
      %cond3A_397 = arith.constant 0 : i32
      %cond3A_398 = arith.cmpi ne, %convert_element_type3A_396, %cond3A_397 : i32
      scf.if %cond3A_398 {
        %parallel_loop3A_436 = arith.constant 0 : i32
        %parallel_loop3A_437 = arith.constant 3072 : i32
        %parallel_loop3A_438 = arith.constant 16 : i32
        scf.for %parallel_loop3A_439 = %parallel_loop3A_436 to %parallel_loop3A_437 step %parallel_loop3A_438  : i32 {
          %parallel_loop3A_440 = arith.index_cast %parallel_loop3A_439 : i32 to index
          %parallel_loop3A_441 = tpu.vector_load %arg15[%parallel_loop3A_440] {strides = array<i32>} : memref<3072xi32, #tpu.memory_space<vmem>>, vector<16xi32>,
          %parallel_loop3A_442 = arith.index_cast %parallel_loop3A_439 : i32 to index
          %parallel_loop3A_443 = tpu.vector_load %arg14[%parallel_loop3A_442] {strides = array<i32>} : memref<3072xi32, #tpu.memory_space<vmem>>, vector<16xi32>,
          %parallel_loop3A_444 = arith.index_cast %parallel_loop3A_439 : i32 to index
          %parallel_loop3A_445 = tpu.vector_load %arg16[%parallel_loop3A_444] {strides = array<i32>} : memref<3072xf32, #tpu.memory_space<vmem>>, vector<16xf32>,
          %parallel_loop3A_446 = arith.constant 32767 : i32
          %parallel_loop3A_447 = vector.broadcast %parallel_loop3A_446 : i32 to vector<16xi32>
          %parallel_loop3A_448 = arith.andi %parallel_loop3A_441, %parallel_loop3A_447 : vector<16xi32>
          %parallel_loop3A_449 = tpu.vector_load_idx %arg8[%parallel_loop3A_448] : memref<32768xi32, #tpu.memory_space<vmem>>[vector<16xi32>], vector<16xi32>,
          %parallel_loop3A_450 = arith.constant -65536 : i32
          %parallel_loop3A_451 = vector.broadcast %parallel_loop3A_450 : i32 to vector<16xi32>
          %parallel_loop3A_452 = arith.andi %parallel_loop3A_449, %parallel_loop3A_451 : vector<16xi32>
          %parallel_loop3A_453 = arith.constant 16 : i32
          %parallel_loop3A_454 = vector.broadcast %parallel_loop3A_453 : i32 to vector<16xi32>
          %parallel_loop3A_455 = arith.shli %parallel_loop3A_449, %parallel_loop3A_454 : vector<16xi32>
          %parallel_loop3A_456 = arith.constant 15 : i32
          %parallel_loop3A_457 = vector.broadcast %parallel_loop3A_456 : i32 to vector<16xi32>
          %parallel_loop3A_458 = arith.shrui %parallel_loop3A_441, %parallel_loop3A_457 : vector<16xi32>
          %parallel_loop3A_459 = arith.constant 1 : i32
          %parallel_loop3A_460 = vector.broadcast %parallel_loop3A_459 : i32 to vector<16xi32>
          %parallel_loop3A_461 = arith.cmpi eq, %parallel_loop3A_458, %parallel_loop3A_460 : vector<16xi32>
          %parallel_loop3A_462 = arith.select %parallel_loop3A_461, %parallel_loop3A_452, %parallel_loop3A_455 : vector<16xi1>, vector<16xi32>
          %parallel_loop3A_463 = vector.bitcast %parallel_loop3A_462 : vector<16xi32> to vector<16xf32>
          %parallel_loop3A_464 = arith.mulf %parallel_loop3A_463, %parallel_loop3A_445 : vector<16xf32>
          tpu.vector_store_idx %arg9[%parallel_loop3A_443], %parallel_loop3A_464 {add = true} : memref<65536xf32, #tpu.memory_space<vmem>>[vector<16xi32>], vector<16xf32>,
        } {sc.loop_unroll_factor = 8 : i64, sc.parallel_access}
      } else {
      }
      %add3A_399 = arith.constant 3 : i32
      %add3A_400 = arith.addi %add3A_377, %add3A_399 : i32
      %lt3A_401 = arith.constant 45 : i32
      %lt3A_402 = arith.cmpi slt, %add3A_400, %lt3A_401 : i32
      %convert_element_type3A_403 = arith.extui %lt3A_402 : i1 to i32
      %cond3A_404 = arith.constant 0 : i32
      %cond3A_405 = arith.cmpi ne, %convert_element_type3A_403, %cond3A_404 : i32
      scf.if %cond3A_405 {
        %add3A_436 = arith.constant 3 : i32
        %add3A_437 = arith.addi %add3A_377, %add3A_436 : i32
        %mul3A_438 = arith.constant 32 : i32
        %mul3A_439 = arith.muli %add3A_437, %mul3A_438 : i32
        %add3A_440 = arith.addi %add3A, %mul3A_439 : i32
        %min3A_441 = arith.constant 1397 : i32
        %min3A_442 = arith.minsi %add3A_440, %min3A_441 : i32
        %mul3A_443 = arith.constant 3072 : i32
        %mul3A_444 = arith.muli %min3A_442, %mul3A_443 : i32
        %dma_start3A_445 = tpu.memref_slice %arg3[%mul3A_444] : memref<4294967xi32, #tpu.memory_space<hbm>> -> memref<3072xi32, #tpu.memory_space<hbm>>
        %dma_start3A_446 = tpu.memref_slice %arg3[%mul3A_444] : memref<4294967xi32, #tpu.memory_space<hbm>> -> memref<3072xi32, #tpu.memory_space<hbm>>
        tpu.enqueue_dma source(%dma_start3A_446 : memref<3072xi32, #tpu.memory_space<hbm>>) target(%arg14 : memref<3072xi32, #tpu.memory_space<vmem>>) target_semaphore(%arg25 : memref<!tpu.dma_semaphore, #tpu.memory_space<semaphore_mem>>)
        %dma_start3A_447 = tpu.memref_slice %arg4[%mul3A_444] : memref<4294967xi32, #tpu.memory_space<hbm>> -> memref<3072xi32, #tpu.memory_space<hbm>>
        %dma_start3A_448 = tpu.memref_slice %arg4[%mul3A_444] : memref<4294967xi32, #tpu.memory_space<hbm>> -> memref<3072xi32, #tpu.memory_space<hbm>>
        tpu.enqueue_dma source(%dma_start3A_448 : memref<3072xi32, #tpu.memory_space<hbm>>) target(%arg15 : memref<3072xi32, #tpu.memory_space<vmem>>) target_semaphore(%arg25 : memref<!tpu.dma_semaphore, #tpu.memory_space<semaphore_mem>>)
        %dma_start3A_449 = tpu.memref_slice %arg5[%mul3A_444] : memref<4294967xf32, #tpu.memory_space<hbm>> -> memref<3072xf32, #tpu.memory_space<hbm>>
        %dma_start3A_450 = tpu.memref_slice %arg5[%mul3A_444] : memref<4294967xf32, #tpu.memory_space<hbm>> -> memref<3072xf32, #tpu.memory_space<hbm>>
        tpu.enqueue_dma source(%dma_start3A_450 : memref<3072xf32, #tpu.memory_space<hbm>>) target(%arg16 : memref<3072xf32, #tpu.memory_space<vmem>>) target_semaphore(%arg25 : memref<!tpu.dma_semaphore, #tpu.memory_space<semaphore_mem>>)
      } else {
      }
      %add3A_406 = arith.constant 2 : i32
      %add3A_407 = arith.addi %add3A_346, %add3A_406 : i32
      %mul3A_408 = arith.constant 32 : i32
      %mul3A_409 = arith.muli %add3A_407, %mul3A_408 : i32
      %add3A_410 = arith.addi %add3A, %mul3A_409 : i32
      %min3A_411 = arith.constant 1397 : i32
      %min3A_412 = arith.minsi %add3A_410, %min3A_411 : i32
      %mul3A_413 = arith.constant 3072 : i32
      %mul3A_414 = arith.muli %min3A_412, %mul3A_413 : i32
      %dma_wait3A_415 = tpu.memref_slice %arg3[%mul3A_414] : memref<4294967xi32, #tpu.memory_space<hbm>> -> memref<3072xi32, #tpu.memory_space<hbm>>
      %dma_wait3A_416 = tpu.memref_slice %arg3[%mul3A_414] : memref<4294967xi32, #tpu.memory_space<hbm>> -> memref<3072xi32, #tpu.memory_space<hbm>>
      tpu.wait_dma2 semaphore(%arg26 : memref<!tpu.dma_semaphore, #tpu.memory_space<semaphore_mem>>) src(%dma_wait3A_416 : memref<3072xi32, #tpu.memory_space<hbm>>) dst(%arg17 : memref<3072xi32, #tpu.memory_space<vmem>>)
      %dma_wait3A_417 = tpu.memref_slice %arg4[%mul3A_414] : memref<4294967xi32, #tpu.memory_space<hbm>> -> memref<3072xi32, #tpu.memory_space<hbm>>
      %dma_wait3A_418 = tpu.memref_slice %arg4[%mul3A_414] : memref<4294967xi32, #tpu.memory_space<hbm>> -> memref<3072xi32, #tpu.memory_space<hbm>>
      tpu.wait_dma2 semaphore(%arg26 : memref<!tpu.dma_semaphore, #tpu.memory_space<semaphore_mem>>) src(%dma_wait3A_418 : memref<3072xi32, #tpu.memory_space<hbm>>) dst(%arg18 : memref<3072xi32, #tpu.memory_space<vmem>>)
      %dma_wait3A_419 = tpu.memref_slice %arg5[%mul3A_414] : memref<4294967xf32, #tpu.memory_space<hbm>> -> memref<3072xf32, #tpu.memory_space<hbm>>
      %dma_wait3A_420 = tpu.memref_slice %arg5[%mul3A_414] : memref<4294967xf32, #tpu.memory_space<hbm>> -> memref<3072xf32, #tpu.memory_space<hbm>>
      tpu.wait_dma2 semaphore(%arg26 : memref<!tpu.dma_semaphore, #tpu.memory_space<semaphore_mem>>) src(%dma_wait3A_420 : memref<3072xf32, #tpu.memory_space<hbm>>) dst(%arg19 : memref<3072xf32, #tpu.memory_space<vmem>>)
      %mul3A_421 = arith.constant 32 : i32
      %mul3A_422 = arith.muli %add3A_407, %mul3A_421 : i32
      %add3A_423 = arith.addi %add3A, %mul3A_422 : i32
      %lt3A_424 = arith.constant 1398 : i32
      %lt3A_425 = arith.cmpi slt, %add3A_423, %lt3A_424 : i32
      %convert_element_type3A_426 = arith.extui %lt3A_425 : i1 to i32
      %cond3A_427 = arith.constant 0 : i32
      %cond3A_428 = arith.cmpi ne, %convert_element_type3A_426, %cond3A_427 : i32
      scf.if %cond3A_428 {
        %parallel_loop3A_436 = arith.constant 0 : i32
        %parallel_loop3A_437 = arith.constant 3072 : i32
        %parallel_loop3A_438 = arith.constant 16 : i32
        scf.for %parallel_loop3A_439 = %parallel_loop3A_436 to %parallel_loop3A_437 step %parallel_loop3A_438  : i32 {
          %parallel_loop3A_440 = arith.index_cast %parallel_loop3A_439 : i32 to index
          %parallel_loop3A_441 = tpu.vector_load %arg18[%parallel_loop3A_440] {strides = array<i32>} : memref<3072xi32, #tpu.memory_space<vmem>>, vector<16xi32>,
          %parallel_loop3A_442 = arith.index_cast %parallel_loop3A_439 : i32 to index
          %parallel_loop3A_443 = tpu.vector_load %arg17[%parallel_loop3A_442] {strides = array<i32>} : memref<3072xi32, #tpu.memory_space<vmem>>, vector<16xi32>,
          %parallel_loop3A_444 = arith.index_cast %parallel_loop3A_439 : i32 to index
          %parallel_loop3A_445 = tpu.vector_load %arg19[%parallel_loop3A_444] {strides = array<i32>} : memref<3072xf32, #tpu.memory_space<vmem>>, vector<16xf32>,
          %parallel_loop3A_446 = arith.constant 32767 : i32
          %parallel_loop3A_447 = vector.broadcast %parallel_loop3A_446 : i32 to vector<16xi32>
          %parallel_loop3A_448 = arith.andi %parallel_loop3A_441, %parallel_loop3A_447 : vector<16xi32>
          %parallel_loop3A_449 = tpu.vector_load_idx %arg8[%parallel_loop3A_448] : memref<32768xi32, #tpu.memory_space<vmem>>[vector<16xi32>], vector<16xi32>,
          %parallel_loop3A_450 = arith.constant -65536 : i32
          %parallel_loop3A_451 = vector.broadcast %parallel_loop3A_450 : i32 to vector<16xi32>
          %parallel_loop3A_452 = arith.andi %parallel_loop3A_449, %parallel_loop3A_451 : vector<16xi32>
          %parallel_loop3A_453 = arith.constant 16 : i32
          %parallel_loop3A_454 = vector.broadcast %parallel_loop3A_453 : i32 to vector<16xi32>
          %parallel_loop3A_455 = arith.shli %parallel_loop3A_449, %parallel_loop3A_454 : vector<16xi32>
          %parallel_loop3A_456 = arith.constant 15 : i32
          %parallel_loop3A_457 = vector.broadcast %parallel_loop3A_456 : i32 to vector<16xi32>
          %parallel_loop3A_458 = arith.shrui %parallel_loop3A_441, %parallel_loop3A_457 : vector<16xi32>
          %parallel_loop3A_459 = arith.constant 1 : i32
          %parallel_loop3A_460 = vector.broadcast %parallel_loop3A_459 : i32 to vector<16xi32>
          %parallel_loop3A_461 = arith.cmpi eq, %parallel_loop3A_458, %parallel_loop3A_460 : vector<16xi32>
          %parallel_loop3A_462 = arith.select %parallel_loop3A_461, %parallel_loop3A_452, %parallel_loop3A_455 : vector<16xi1>, vector<16xi32>
          %parallel_loop3A_463 = vector.bitcast %parallel_loop3A_462 : vector<16xi32> to vector<16xf32>
          %parallel_loop3A_464 = arith.mulf %parallel_loop3A_463, %parallel_loop3A_445 : vector<16xf32>
          tpu.vector_store_idx %arg9[%parallel_loop3A_443], %parallel_loop3A_464 {add = true} : memref<65536xf32, #tpu.memory_space<vmem>>[vector<16xi32>], vector<16xf32>,
        } {sc.loop_unroll_factor = 8 : i64, sc.parallel_access}
      } else {
      }
      %add3A_429 = arith.constant 3 : i32
      %add3A_430 = arith.addi %add3A_407, %add3A_429 : i32
      %lt3A_431 = arith.constant 45 : i32
      %lt3A_432 = arith.cmpi slt, %add3A_430, %lt3A_431 : i32
      %convert_element_type3A_433 = arith.extui %lt3A_432 : i1 to i32
      %cond3A_434 = arith.constant 0 : i32
      %cond3A_435 = arith.cmpi ne, %convert_element_type3A_433, %cond3A_434 : i32
      scf.if %cond3A_435 {
        %add3A_436 = arith.constant 3 : i32
        %add3A_437 = arith.addi %add3A_407, %add3A_436 : i32
        %mul3A_438 = arith.constant 32 : i32
        %mul3A_439 = arith.muli %add3A_437, %mul3A_438 : i32
        %add3A_440 = arith.addi %add3A, %mul3A_439 : i32
        %min3A_441 = arith.constant 1397 : i32
        %min3A_442 = arith.minsi %add3A_440, %min3A_441 : i32
        %mul3A_443 = arith.constant 3072 : i32
        %mul3A_444 = arith.muli %min3A_442, %mul3A_443 : i32
        %dma_start3A_445 = tpu.memref_slice %arg3[%mul3A_444] : memref<4294967xi32, #tpu.memory_space<hbm>> -> memref<3072xi32, #tpu.memory_space<hbm>>
        %dma_start3A_446 = tpu.memref_slice %arg3[%mul3A_444] : memref<4294967xi32, #tpu.memory_space<hbm>> -> memref<3072xi32, #tpu.memory_space<hbm>>
        tpu.enqueue_dma source(%dma_start3A_446 : memref<3072xi32, #tpu.memory_space<hbm>>) target(%arg17 : memref<3072xi32, #tpu.memory_space<vmem>>) target_semaphore(%arg26 : memref<!tpu.dma_semaphore, #tpu.memory_space<semaphore_mem>>)
        %dma_start3A_447 = tpu.memref_slice %arg4[%mul3A_444] : memref<4294967xi32, #tpu.memory_space<hbm>> -> memref<3072xi32, #tpu.memory_space<hbm>>
        %dma_start3A_448 = tpu.memref_slice %arg4[%mul3A_444] : memref<4294967xi32, #tpu.memory_space<hbm>> -> memref<3072xi32, #tpu.memory_space<hbm>>
        tpu.enqueue_dma source(%dma_start3A_448 : memref<3072xi32, #tpu.memory_space<hbm>>) target(%arg18 : memref<3072xi32, #tpu.memory_space<vmem>>) target_semaphore(%arg26 : memref<!tpu.dma_semaphore, #tpu.memory_space<semaphore_mem>>)
        %dma_start3A_449 = tpu.memref_slice %arg5[%mul3A_444] : memref<4294967xf32, #tpu.memory_space<hbm>> -> memref<3072xf32, #tpu.memory_space<hbm>>
        %dma_start3A_450 = tpu.memref_slice %arg5[%mul3A_444] : memref<4294967xf32, #tpu.memory_space<hbm>> -> memref<3072xf32, #tpu.memory_space<hbm>>
        tpu.enqueue_dma source(%dma_start3A_450 : memref<3072xf32, #tpu.memory_space<hbm>>) target(%arg19 : memref<3072xf32, #tpu.memory_space<vmem>>) target_semaphore(%arg26 : memref<!tpu.dma_semaphore, #tpu.memory_space<semaphore_mem>>)
      } else {
      }
    }
    %scan3A_43 = arith.constant 15 : i32
    %eq3A = arith.constant 31 : i32
    %eq3A_44 = arith.cmpi eq, %add3A, %eq3A : i32
    %convert_element_type3A = arith.extui %eq3A_44 : i1 to i32
    %cond3A = arith.constant 0 : i32
    %cond3A_45 = arith.cmpi ne, %convert_element_type3A, %cond3A : i32
    scf.if %cond3A_45 {
      "tpu.region"() ({
        %run_scoped3A = tpu.sem_alloc : memref<!tpu.dma_semaphore, #tpu.memory_space<semaphore_mem>>
        %dma_start3A_345 = arith.constant 0 : i32
        %dma_start3A_346 = tpu.memref_slice %arg11[%dma_start3A_345] : memref<3072xi32, #tpu.memory_space<vmem>> -> memref<304xi32, #tpu.memory_space<vmem>>
        %dma_start3A_347 = arith.constant 4294656 : i32
        %dma_start3A_348 = tpu.memref_slice %arg3[%dma_start3A_347] : memref<4294967xi32, #tpu.memory_space<hbm>> -> memref<304xi32, #tpu.memory_space<hbm>>
        %dma_start3A_349 = arith.constant 0 : i32
        %dma_start3A_350 = tpu.memref_slice %arg11[%dma_start3A_349] : memref<3072xi32, #tpu.memory_space<vmem>> -> memref<304xi32, #tpu.memory_space<vmem>>
        %dma_start3A_351 = arith.constant 4294656 : i32
        %dma_start3A_352 = tpu.memref_slice %arg3[%dma_start3A_351] : memref<4294967xi32, #tpu.memory_space<hbm>> -> memref<304xi32, #tpu.memory_space<hbm>>
        tpu.enqueue_dma source(%dma_start3A_352 : memref<304xi32, #tpu.memory_space<hbm>>) target(%dma_start3A_350 : memref<304xi32, #tpu.memory_space<vmem>>) target_semaphore(%run_scoped3A : memref<!tpu.dma_semaphore, #tpu.memory_space<semaphore_mem>>)
        %dma_wait3A_353 = arith.constant 0 : i32
        %dma_wait3A_354 = tpu.memref_slice %arg11[%dma_wait3A_353] : memref<3072xi32, #tpu.memory_space<vmem>> -> memref<304xi32, #tpu.memory_space<vmem>>
        %dma_wait3A_355 = arith.constant 4294656 : i32
        %dma_wait3A_356 = tpu.memref_slice %arg3[%dma_wait3A_355] : memref<4294967xi32, #tpu.memory_space<hbm>> -> memref<304xi32, #tpu.memory_space<hbm>>
        %dma_wait3A_357 = arith.constant 0 : i32
        %dma_wait3A_358 = tpu.memref_slice %arg11[%dma_wait3A_357] : memref<3072xi32, #tpu.memory_space<vmem>> -> memref<304xi32, #tpu.memory_space<vmem>>
        %dma_wait3A_359 = arith.constant 4294656 : i32
        %dma_wait3A_360 = tpu.memref_slice %arg3[%dma_wait3A_359] : memref<4294967xi32, #tpu.memory_space<hbm>> -> memref<304xi32, #tpu.memory_space<hbm>>
        tpu.wait_dma2 semaphore(%run_scoped3A : memref<!tpu.dma_semaphore, #tpu.memory_space<semaphore_mem>>) src(%dma_wait3A_360 : memref<304xi32, #tpu.memory_space<hbm>>) dst(%dma_wait3A_358 : memref<304xi32, #tpu.memory_space<vmem>>)
        tpu.yield
      }) : () -> ()
      "tpu.region"() ({
        %run_scoped3A = tpu.sem_alloc : memref<!tpu.dma_semaphore, #tpu.memory_space<semaphore_mem>>
        %dma_start3A_345 = arith.constant 0 : i32
        %dma_start3A_346 = tpu.memref_slice %arg12[%dma_start3A_345] : memref<3072xi32, #tpu.memory_space<vmem>> -> memref<304xi32, #tpu.memory_space<vmem>>
        %dma_start3A_347 = arith.constant 4294656 : i32
        %dma_start3A_348 = tpu.memref_slice %arg4[%dma_start3A_347] : memref<4294967xi32, #tpu.memory_space<hbm>> -> memref<304xi32, #tpu.memory_space<hbm>>
        %dma_start3A_349 = arith.constant 0 : i32
        %dma_start3A_350 = tpu.memref_slice %arg12[%dma_start3A_349] : memref<3072xi32, #tpu.memory_space<vmem>> -> memref<304xi32, #tpu.memory_space<vmem>>
        %dma_start3A_351 = arith.constant 4294656 : i32
        %dma_start3A_352 = tpu.memref_slice %arg4[%dma_start3A_351] : memref<4294967xi32, #tpu.memory_space<hbm>> -> memref<304xi32, #tpu.memory_space<hbm>>
        tpu.enqueue_dma source(%dma_start3A_352 : memref<304xi32, #tpu.memory_space<hbm>>) target(%dma_start3A_350 : memref<304xi32, #tpu.memory_space<vmem>>) target_semaphore(%run_scoped3A : memref<!tpu.dma_semaphore, #tpu.memory_space<semaphore_mem>>)
        %dma_wait3A_353 = arith.constant 0 : i32
        %dma_wait3A_354 = tpu.memref_slice %arg12[%dma_wait3A_353] : memref<3072xi32, #tpu.memory_space<vmem>> -> memref<304xi32, #tpu.memory_space<vmem>>
        %dma_wait3A_355 = arith.constant 4294656 : i32
        %dma_wait3A_356 = tpu.memref_slice %arg4[%dma_wait3A_355] : memref<4294967xi32, #tpu.memory_space<hbm>> -> memref<304xi32, #tpu.memory_space<hbm>>
        %dma_wait3A_357 = arith.constant 0 : i32
        %dma_wait3A_358 = tpu.memref_slice %arg12[%dma_wait3A_357] : memref<3072xi32, #tpu.memory_space<vmem>> -> memref<304xi32, #tpu.memory_space<vmem>>
        %dma_wait3A_359 = arith.constant 4294656 : i32
        %dma_wait3A_360 = tpu.memref_slice %arg4[%dma_wait3A_359] : memref<4294967xi32, #tpu.memory_space<hbm>> -> memref<304xi32, #tpu.memory_space<hbm>>
        tpu.wait_dma2 semaphore(%run_scoped3A : memref<!tpu.dma_semaphore, #tpu.memory_space<semaphore_mem>>) src(%dma_wait3A_360 : memref<304xi32, #tpu.memory_space<hbm>>) dst(%dma_wait3A_358 : memref<304xi32, #tpu.memory_space<vmem>>)
        tpu.yield
      }) : () -> ()
      "tpu.region"() ({
        %run_scoped3A = tpu.sem_alloc : memref<!tpu.dma_semaphore, #tpu.memory_space<semaphore_mem>>
        %dma_start3A_345 = arith.constant 0 : i32
        %dma_start3A_346 = tpu.memref_slice %arg13[%dma_start3A_345] : memref<3072xf32, #tpu.memory_space<vmem>> -> memref<304xf32, #tpu.memory_space<vmem>>
        %dma_start3A_347 = arith.constant 4294656 : i32
        %dma_start3A_348 = tpu.memref_slice %arg5[%dma_start3A_347] : memref<4294967xf32, #tpu.memory_space<hbm>> -> memref<304xf32, #tpu.memory_space<hbm>>
        %dma_start3A_349 = arith.constant 0 : i32
        %dma_start3A_350 = tpu.memref_slice %arg13[%dma_start3A_349] : memref<3072xf32, #tpu.memory_space<vmem>> -> memref<304xf32, #tpu.memory_space<vmem>>
        %dma_start3A_351 = arith.constant 4294656 : i32
        %dma_start3A_352 = tpu.memref_slice %arg5[%dma_start3A_351] : memref<4294967xf32, #tpu.memory_space<hbm>> -> memref<304xf32, #tpu.memory_space<hbm>>
        tpu.enqueue_dma source(%dma_start3A_352 : memref<304xf32, #tpu.memory_space<hbm>>) target(%dma_start3A_350 : memref<304xf32, #tpu.memory_space<vmem>>) target_semaphore(%run_scoped3A : memref<!tpu.dma_semaphore, #tpu.memory_space<semaphore_mem>>)
        %dma_wait3A_353 = arith.constant 0 : i32
        %dma_wait3A_354 = tpu.memref_slice %arg13[%dma_wait3A_353] : memref<3072xf32, #tpu.memory_space<vmem>> -> memref<304xf32, #tpu.memory_space<vmem>>
        %dma_wait3A_355 = arith.constant 4294656 : i32
        %dma_wait3A_356 = tpu.memref_slice %arg5[%dma_wait3A_355] : memref<4294967xf32, #tpu.memory_space<hbm>> -> memref<304xf32, #tpu.memory_space<hbm>>
        %dma_wait3A_357 = arith.constant 0 : i32
        %dma_wait3A_358 = tpu.memref_slice %arg13[%dma_wait3A_357] : memref<3072xf32, #tpu.memory_space<vmem>> -> memref<304xf32, #tpu.memory_space<vmem>>
        %dma_wait3A_359 = arith.constant 4294656 : i32
        %dma_wait3A_360 = tpu.memref_slice %arg5[%dma_wait3A_359] : memref<4294967xf32, #tpu.memory_space<hbm>> -> memref<304xf32, #tpu.memory_space<hbm>>
        tpu.wait_dma2 semaphore(%run_scoped3A : memref<!tpu.dma_semaphore, #tpu.memory_space<semaphore_mem>>) src(%dma_wait3A_360 : memref<304xf32, #tpu.memory_space<hbm>>) dst(%dma_wait3A_358 : memref<304xf32, #tpu.memory_space<vmem>>)
        tpu.yield
      }) : () -> ()
      %parallel_loop3A_342 = arith.constant 0 : i32
      %parallel_loop3A_343 = arith.constant 304 : i32
      %parallel_loop3A_344 = arith.constant 16 : i32
      scf.for %parallel_loop3A_345 = %parallel_loop3A_342 to %parallel_loop3A_343 step %parallel_loop3A_344  : i32 {
        %parallel_loop3A_346 = arith.index_cast %parallel_loop3A_345 : i32 to index
        %parallel_loop3A_347 = tpu.vector_load %arg12[%parallel_loop3A_346] {strides = array<i32>} : memref<3072xi32, #tpu.memory_space<vmem>>, vector<16xi32>,
        %parallel_loop3A_348 = arith.index_cast %parallel_loop3A_345 : i32 to index
        %parallel_loop3A_349 = tpu.vector_load %arg11[%parallel_loop3A_348] {strides = array<i32>} : memref<3072xi32, #tpu.memory_space<vmem>>, vector<16xi32>,
        %parallel_loop3A_350 = arith.index_cast %parallel_loop3A_345 : i32 to index
        %parallel_loop3A_351 = tpu.vector_load %arg13[%parallel_loop3A_350] {strides = array<i32>} : memref<3072xf32, #tpu.memory_space<vmem>>, vector<16xf32>,
        %parallel_loop3A_352 = arith.constant 32767 : i32
        %parallel_loop3A_353 = vector.broadcast %parallel_loop3A_352 : i32 to vector<16xi32>
        %parallel_loop3A_354 = arith.andi %parallel_loop3A_347, %parallel_loop3A_353 : vector<16xi32>
        %parallel_loop3A_355 = tpu.vector_load_idx %arg8[%parallel_loop3A_354] : memref<32768xi32, #tpu.memory_space<vmem>>[vector<16xi32>], vector<16xi32>,
        %parallel_loop3A_356 = arith.constant -65536 : i32
        %parallel_loop3A_357 = vector.broadcast %parallel_loop3A_356 : i32 to vector<16xi32>
        %parallel_loop3A_358 = arith.andi %parallel_loop3A_355, %parallel_loop3A_357 : vector<16xi32>
        %parallel_loop3A_359 = arith.constant 16 : i32
        %parallel_loop3A_360 = vector.broadcast %parallel_loop3A_359 : i32 to vector<16xi32>
        %parallel_loop3A_361 = arith.shli %parallel_loop3A_355, %parallel_loop3A_360 : vector<16xi32>
        %parallel_loop3A_362 = arith.constant 15 : i32
        %parallel_loop3A_363 = vector.broadcast %parallel_loop3A_362 : i32 to vector<16xi32>
        %parallel_loop3A_364 = arith.shrui %parallel_loop3A_347, %parallel_loop3A_363 : vector<16xi32>
        %parallel_loop3A_365 = arith.constant 1 : i32
        %parallel_loop3A_366 = vector.broadcast %parallel_loop3A_365 : i32 to vector<16xi32>
        %parallel_loop3A_367 = arith.cmpi eq, %parallel_loop3A_364, %parallel_loop3A_366 : vector<16xi32>
        %parallel_loop3A_368 = arith.select %parallel_loop3A_367, %parallel_loop3A_358, %parallel_loop3A_361 : vector<16xi1>, vector<16xi32>
        %parallel_loop3A_369 = vector.bitcast %parallel_loop3A_368 : vector<16xi32> to vector<16xf32>
        %parallel_loop3A_370 = arith.mulf %parallel_loop3A_369, %parallel_loop3A_351 : vector<16xf32>
        tpu.vector_store_idx %arg9[%parallel_loop3A_349], %parallel_loop3A_370 {add = true} : memref<65536xf32, #tpu.memory_space<vmem>>[vector<16xi32>], vector<16xf32>,
      } {sc.loop_unroll_factor = 8 : i64, sc.parallel_access}
    } else {
    }
    %eq3A_46 = arith.constant 30 : i32
    %eq3A_47 = arith.cmpi eq, %add3A, %eq3A_46 : i32
    %convert_element_type3A_48 = arith.extui %eq3A_47 : i1 to i32
    %cond3A_49 = arith.constant 0 : i32
    %cond3A_50 = arith.cmpi ne, %convert_element_type3A_48, %cond3A_49 : i32
    scf.if %cond3A_50 {
      %iota3A = tpu.iota {dimensions = array<i32: 0>} : vector<16xi32>
      %add3A_342 = arith.constant 4294960 : i32
      %add3A_343 = vector.broadcast %add3A_342 : i32 to vector<16xi32>
      %add3A_344 = arith.addi %iota3A, %add3A_343 : vector<16xi32>
      %min3A_345 = arith.constant 4294966 : i32
      %min3A_346 = vector.broadcast %min3A_345 : i32 to vector<16xi32>
      %min3A_347 = arith.minsi %add3A_344, %min3A_346 : vector<16xi32>
      %swap3A = arith.constant 0 : index
      %swap3A_348 = tpu.vector_load %arg20[%swap3A] {strides = array<i32>} : memref<16xi32, #tpu.memory_space<vmem>>, vector<16xi32>,
      tpu.vector_store %arg20[%swap3A], %min3A_347 {strides = array<i32>} : memref<16xi32, #tpu.memory_space<vmem>>, vector<16xi32>,
      "tpu.region"() ({
        %run_scoped3A = tpu.sem_alloc : memref<!tpu.dma_semaphore, #tpu.memory_space<semaphore_mem>>
        %dma_start3A_357 = arith.constant 0 : i32
        %dma_start3A_358 = tpu.memref_slice %arg3[%dma_start3A_357] : memref<4294967xi32, #tpu.memory_space<hbm>> -> memref<4294967xi32, #tpu.memory_space<hbm>>
        tpu.enqueue_indirect_dma source(%dma_start3A_358 : memref<4294967xi32, #tpu.memory_space<hbm>>) target(%arg21 : memref<16xi32, #tpu.memory_space<vmem>>) offsets(%arg20 : memref<16xi32, #tpu.memory_space<vmem>>) semaphore(%run_scoped3A : memref<!tpu.dma_semaphore, #tpu.memory_space<semaphore_mem>>)
        %dma_wait3A_359 = arith.constant 0 : i32
        %dma_wait3A_360 = tpu.memref_slice %arg3[%dma_wait3A_359] : memref<4294967xi32, #tpu.memory_space<hbm>> -> memref<4294967xi32, #tpu.memory_space<hbm>>
        tpu.wait_indirect_dma semaphore(%run_scoped3A : memref<!tpu.dma_semaphore, #tpu.memory_space<semaphore_mem>>) src(%dma_wait3A_360 : memref<4294967xi32, #tpu.memory_space<hbm>>) dst(%arg21 : memref<16xi32, #tpu.memory_space<vmem>>)
        tpu.yield
      }) : () -> ()
      "tpu.region"() ({
        %run_scoped3A = tpu.sem_alloc : memref<!tpu.dma_semaphore, #tpu.memory_space<semaphore_mem>>
        %dma_start3A_357 = arith.constant 0 : i32
        %dma_start3A_358 = tpu.memref_slice %arg4[%dma_start3A_357] : memref<4294967xi32, #tpu.memory_space<hbm>> -> memref<4294967xi32, #tpu.memory_space<hbm>>
        tpu.enqueue_indirect_dma source(%dma_start3A_358 : memref<4294967xi32, #tpu.memory_space<hbm>>) target(%arg22 : memref<16xi32, #tpu.memory_space<vmem>>) offsets(%arg20 : memref<16xi32, #tpu.memory_space<vmem>>) semaphore(%run_scoped3A : memref<!tpu.dma_semaphore, #tpu.memory_space<semaphore_mem>>)
        %dma_wait3A_359 = arith.constant 0 : i32
        %dma_wait3A_360 = tpu.memref_slice %arg4[%dma_wait3A_359] : memref<4294967xi32, #tpu.memory_space<hbm>> -> memref<4294967xi32, #tpu.memory_space<hbm>>
        tpu.wait_indirect_dma semaphore(%run_scoped3A : memref<!tpu.dma_semaphore, #tpu.memory_space<semaphore_mem>>) src(%dma_wait3A_360 : memref<4294967xi32, #tpu.memory_space<hbm>>) dst(%arg22 : memref<16xi32, #tpu.memory_space<vmem>>)
        tpu.yield
      }) : () -> ()
      "tpu.region"() ({
        %run_scoped3A = tpu.sem_alloc : memref<!tpu.dma_semaphore, #tpu.memory_space<semaphore_mem>>
        %dma_start3A_357 = arith.constant 0 : i32
        %dma_start3A_358 = tpu.memref_slice %arg5[%dma_start3A_357] : memref<4294967xf32, #tpu.memory_space<hbm>> -> memref<4294967xf32, #tpu.memory_space<hbm>>
        tpu.enqueue_indirect_dma source(%dma_start3A_358 : memref<4294967xf32, #tpu.memory_space<hbm>>) target(%arg23 : memref<16xf32, #tpu.memory_space<vmem>>) offsets(%arg20 : memref<16xi32, #tpu.memory_space<vmem>>) semaphore(%run_scoped3A : memref<!tpu.dma_semaphore, #tpu.memory_space<semaphore_mem>>)
        %dma_wait3A_359 = arith.constant 0 : i32
        %dma_wait3A_360 = tpu.memref_slice %arg5[%dma_wait3A_359] : memref<4294967xf32, #tpu.memory_space<hbm>> -> memref<4294967xf32, #tpu.memory_space<hbm>>
        tpu.wait_indirect_dma semaphore(%run_scoped3A : memref<!tpu.dma_semaphore, #tpu.memory_space<semaphore_mem>>) src(%dma_wait3A_360 : memref<4294967xf32, #tpu.memory_space<hbm>>) dst(%arg23 : memref<16xf32, #tpu.memory_space<vmem>>)
        tpu.yield
      }) : () -> ()
      %lt3A = arith.constant 7 : i32
      %lt3A_349 = vector.broadcast %lt3A : i32 to vector<16xi32>
      %lt3A_350 = arith.cmpi slt, %iota3A, %lt3A_349 : vector<16xi32>
      %get3A = arith.constant 0 : index
      %get3A_351 = tpu.vector_load %arg23[%get3A] {strides = array<i32>} : memref<16xf32, #tpu.memory_space<vmem>>, vector<16xf32>,
      %jit3A = arith.constant 0.000000e+00 : f32
      %broadcast_in_dim3A = vector.broadcast %jit3A : f32 to vector<16xf32>
      %select_n3A = arith.select %lt3A_350, %get3A_351, %broadcast_in_dim3A : vector<16xi1>, vector<16xf32>
      %swap3A_352 = arith.constant 0 : index
      %swap3A_353 = tpu.vector_load %arg23[%swap3A_352] {strides = array<i32>} : memref<16xf32, #tpu.memory_space<vmem>>, vector<16xf32>,
      tpu.vector_store %arg23[%swap3A_352], %select_n3A {strides = array<i32>} : memref<16xf32, #tpu.memory_space<vmem>>, vector<16xf32>,
      %parallel_loop3A_354 = arith.constant 0 : i32
      %parallel_loop3A_355 = arith.constant 16 : i32
      %parallel_loop3A_356 = arith.constant 16 : i32
      scf.for %parallel_loop3A_357 = %parallel_loop3A_354 to %parallel_loop3A_355 step %parallel_loop3A_356  : i32 {
        %parallel_loop3A_358 = arith.index_cast %parallel_loop3A_357 : i32 to index
        %parallel_loop3A_359 = tpu.vector_load %arg22[%parallel_loop3A_358] {strides = array<i32>} : memref<16xi32, #tpu.memory_space<vmem>>, vector<16xi32>,
        %parallel_loop3A_360 = arith.index_cast %parallel_loop3A_357 : i32 to index
        %parallel_loop3A_361 = tpu.vector_load %arg21[%parallel_loop3A_360] {strides = array<i32>} : memref<16xi32, #tpu.memory_space<vmem>>, vector<16xi32>,
        %parallel_loop3A_362 = arith.index_cast %parallel_loop3A_357 : i32 to index
        %parallel_loop3A_363 = tpu.vector_load %arg23[%parallel_loop3A_362] {strides = array<i32>} : memref<16xf32, #tpu.memory_space<vmem>>, vector<16xf32>,
        %parallel_loop3A_364 = arith.constant 32767 : i32
        %parallel_loop3A_365 = vector.broadcast %parallel_loop3A_364 : i32 to vector<16xi32>
        %parallel_loop3A_366 = arith.andi %parallel_loop3A_359, %parallel_loop3A_365 : vector<16xi32>
        %parallel_loop3A_367 = tpu.vector_load_idx %arg8[%parallel_loop3A_366] : memref<32768xi32, #tpu.memory_space<vmem>>[vector<16xi32>], vector<16xi32>,
        %parallel_loop3A_368 = arith.constant -65536 : i32
        %parallel_loop3A_369 = vector.broadcast %parallel_loop3A_368 : i32 to vector<16xi32>
        %parallel_loop3A_370 = arith.andi %parallel_loop3A_367, %parallel_loop3A_369 : vector<16xi32>
        %parallel_loop3A_371 = arith.constant 16 : i32
        %parallel_loop3A_372 = vector.broadcast %parallel_loop3A_371 : i32 to vector<16xi32>
        %parallel_loop3A_373 = arith.shli %parallel_loop3A_367, %parallel_loop3A_372 : vector<16xi32>
        %parallel_loop3A_374 = arith.constant 15 : i32
        %parallel_loop3A_375 = vector.broadcast %parallel_loop3A_374 : i32 to vector<16xi32>
        %parallel_loop3A_376 = arith.shrui %parallel_loop3A_359, %parallel_loop3A_375 : vector<16xi32>
        %parallel_loop3A_377 = arith.constant 1 : i32
        %parallel_loop3A_378 = vector.broadcast %parallel_loop3A_377 : i32 to vector<16xi32>
        %parallel_loop3A_379 = arith.cmpi eq, %parallel_loop3A_376, %parallel_loop3A_378 : vector<16xi32>
        %parallel_loop3A_380 = arith.select %parallel_loop3A_379, %parallel_loop3A_370, %parallel_loop3A_373 : vector<16xi1>, vector<16xi32>
        %parallel_loop3A_381 = vector.bitcast %parallel_loop3A_380 : vector<16xi32> to vector<16xf32>
        %parallel_loop3A_382 = arith.mulf %parallel_loop3A_381, %parallel_loop3A_363 : vector<16xf32>
        tpu.vector_store_idx %arg9[%parallel_loop3A_361], %parallel_loop3A_382 {add = true} : memref<65536xf32, #tpu.memory_space<vmem>>[vector<16xi32>], vector<16xf32>,
      } {sc.loop_unroll_factor = 8 : i64, sc.parallel_access}
    } else {
    }
    "tpu.region"() ({
      %run_scoped3A = tpu.sem_alloc : memref<!tpu.dma_semaphore, #tpu.memory_space<semaphore_mem>>
      %dma_start3A_342 = arith.constant 0 : i32
      %dma_start3A_343 = tpu.memref_slice %arg6[%arg0, %arg1, %dma_start3A_342] : memref<2x16x65536xf32, #tpu.memory_space<hbm>> -> memref<1x1x65536xf32, #tpu.memory_space<hbm>>
      %dma_start3A_344 = tpu.memref_squeeze %dma_start3A_343 : memref<1x1x65536xf32, #tpu.memory_space<hbm>> -> memref<65536xf32, #tpu.memory_space<hbm>>
      %dma_start3A_345 = arith.constant 0 : i32
      %dma_start3A_346 = tpu.memref_slice %arg6[%arg0, %arg1, %dma_start3A_345] : memref<2x16x65536xf32, #tpu.memory_space<hbm>> -> memref<1x1x65536xf32, #tpu.memory_space<hbm>>
      %dma_start3A_347 = tpu.memref_squeeze %dma_start3A_346 : memref<1x1x65536xf32, #tpu.memory_space<hbm>> -> memref<65536xf32, #tpu.memory_space<hbm>>
      tpu.enqueue_dma source(%arg9 : memref<65536xf32, #tpu.memory_space<vmem>>) target(%dma_start3A_347 : memref<65536xf32, #tpu.memory_space<hbm>>) target_semaphore(%run_scoped3A : memref<!tpu.dma_semaphore, #tpu.memory_space<semaphore_mem>>)
      %dma_wait3A_348 = arith.constant 0 : i32
      %dma_wait3A_349 = tpu.memref_slice %arg6[%arg0, %arg1, %dma_wait3A_348] : memref<2x16x65536xf32, #tpu.memory_space<hbm>> -> memref<1x1x65536xf32, #tpu.memory_space<hbm>>
      %dma_wait3A_350 = tpu.memref_squeeze %dma_wait3A_349 : memref<1x1x65536xf32, #tpu.memory_space<hbm>> -> memref<65536xf32, #tpu.memory_space<hbm>>
      %dma_wait3A_351 = arith.constant 0 : i32
      %dma_wait3A_352 = tpu.memref_slice %arg6[%arg0, %arg1, %dma_wait3A_351] : memref<2x16x65536xf32, #tpu.memory_space<hbm>> -> memref<1x1x65536xf32, #tpu.memory_space<hbm>>
      %dma_wait3A_353 = tpu.memref_squeeze %dma_wait3A_352 : memref<1x1x65536xf32, #tpu.memory_space<hbm>> -> memref<65536xf32, #tpu.memory_space<hbm>>
      tpu.wait_dma2 semaphore(%run_scoped3A : memref<!tpu.dma_semaphore, #tpu.memory_space<semaphore_mem>>) src(%arg9 : memref<65536xf32, #tpu.memory_space<vmem>>) dst(%dma_wait3A_353 : memref<65536xf32, #tpu.memory_space<hbm>>)
      tpu.yield
    }) : () -> ()
    %barrier3A = arith.constant 0 : index
    tpu.barrier barrier_id(%barrier3A)
    %mul3A_51 = arith.constant 4096 : i32
    %mul3A_52 = arith.muli %arg1, %mul3A_51 : i32
    %dma_start3A_53 = arith.constant 0 : i32
    %dma_start3A_54 = arith.constant 0 : i32
    %dma_start3A_55 = tpu.memref_slice %arg9[%dma_start3A_54] : memref<65536xf32, #tpu.memory_space<vmem>> -> memref<4096xf32, #tpu.memory_space<vmem>>
    %dma_start3A_56 = tpu.memref_slice %arg6[%arg0, %dma_start3A_53, %mul3A_52] : memref<2x16x65536xf32, #tpu.memory_space<hbm>> -> memref<1x1x4096xf32, #tpu.memory_space<hbm>>
    %dma_start3A_57 = tpu.memref_squeeze %dma_start3A_56 : memref<1x1x4096xf32, #tpu.memory_space<hbm>> -> memref<4096xf32, #tpu.memory_space<hbm>>
    %dma_start3A_58 = arith.constant 0 : i32
    %dma_start3A_59 = tpu.memref_slice %arg9[%dma_start3A_58] : memref<65536xf32, #tpu.memory_space<vmem>> -> memref<4096xf32, #tpu.memory_space<vmem>>
    %dma_start3A_60 = tpu.memref_slice %arg6[%arg0, %dma_start3A_53, %mul3A_52] : memref<2x16x65536xf32, #tpu.memory_space<hbm>> -> memref<1x1x4096xf32, #tpu.memory_space<hbm>>
    %dma_start3A_61 = tpu.memref_squeeze %dma_start3A_60 : memref<1x1x4096xf32, #tpu.memory_space<hbm>> -> memref<4096xf32, #tpu.memory_space<hbm>>
    tpu.enqueue_dma source(%dma_start3A_61 : memref<4096xf32, #tpu.memory_space<hbm>>) target(%dma_start3A_59 : memref<4096xf32, #tpu.memory_space<vmem>>) target_semaphore(%arg24 : memref<!tpu.dma_semaphore, #tpu.memory_space<semaphore_mem>>)
    %dma_start3A_62 = arith.constant 1 : i32
    %dma_start3A_63 = arith.constant 4096 : i32
    %dma_start3A_64 = tpu.memref_slice %arg9[%dma_start3A_63] : memref<65536xf32, #tpu.memory_space<vmem>> -> memref<4096xf32, #tpu.memory_space<vmem>>
    %dma_start3A_65 = tpu.memref_slice %arg6[%arg0, %dma_start3A_62, %mul3A_52] : memref<2x16x65536xf32, #tpu.memory_space<hbm>> -> memref<1x1x4096xf32, #tpu.memory_space<hbm>>
    %dma_start3A_66 = tpu.memref_squeeze %dma_start3A_65 : memref<1x1x4096xf32, #tpu.memory_space<hbm>> -> memref<4096xf32, #tpu.memory_space<hbm>>
    %dma_start3A_67 = arith.constant 4096 : i32
    %dma_start3A_68 = tpu.memref_slice %arg9[%dma_start3A_67] : memref<65536xf32, #tpu.memory_space<vmem>> -> memref<4096xf32, #tpu.memory_space<vmem>>
    %dma_start3A_69 = tpu.memref_slice %arg6[%arg0, %dma_start3A_62, %mul3A_52] : memref<2x16x65536xf32, #tpu.memory_space<hbm>> -> memref<1x1x4096xf32, #tpu.memory_space<hbm>>
    %dma_start3A_70 = tpu.memref_squeeze %dma_start3A_69 : memref<1x1x4096xf32, #tpu.memory_space<hbm>> -> memref<4096xf32, #tpu.memory_space<hbm>>
    tpu.enqueue_dma source(%dma_start3A_70 : memref<4096xf32, #tpu.memory_space<hbm>>) target(%dma_start3A_68 : memref<4096xf32, #tpu.memory_space<vmem>>) target_semaphore(%arg24 : memref<!tpu.dma_semaphore, #tpu.memory_space<semaphore_mem>>)
    %dma_start3A_71 = arith.constant 2 : i32
    %dma_start3A_72 = arith.constant 8192 : i32
    %dma_start3A_73 = tpu.memref_slice %arg9[%dma_start3A_72] : memref<65536xf32, #tpu.memory_space<vmem>> -> memref<4096xf32, #tpu.memory_space<vmem>>
    %dma_start3A_74 = tpu.memref_slice %arg6[%arg0, %dma_start3A_71, %mul3A_52] : memref<2x16x65536xf32, #tpu.memory_space<hbm>> -> memref<1x1x4096xf32, #tpu.memory_space<hbm>>
    %dma_start3A_75 = tpu.memref_squeeze %dma_start3A_74 : memref<1x1x4096xf32, #tpu.memory_space<hbm>> -> memref<4096xf32, #tpu.memory_space<hbm>>
    %dma_start3A_76 = arith.constant 8192 : i32
    %dma_start3A_77 = tpu.memref_slice %arg9[%dma_start3A_76] : memref<65536xf32, #tpu.memory_space<vmem>> -> memref<4096xf32, #tpu.memory_space<vmem>>
    %dma_start3A_78 = tpu.memref_slice %arg6[%arg0, %dma_start3A_71, %mul3A_52] : memref<2x16x65536xf32, #tpu.memory_space<hbm>> -> memref<1x1x4096xf32, #tpu.memory_space<hbm>>
    %dma_start3A_79 = tpu.memref_squeeze %dma_start3A_78 : memref<1x1x4096xf32, #tpu.memory_space<hbm>> -> memref<4096xf32, #tpu.memory_space<hbm>>
    tpu.enqueue_dma source(%dma_start3A_79 : memref<4096xf32, #tpu.memory_space<hbm>>) target(%dma_start3A_77 : memref<4096xf32, #tpu.memory_space<vmem>>) target_semaphore(%arg24 : memref<!tpu.dma_semaphore, #tpu.memory_space<semaphore_mem>>)
    %dma_start3A_80 = arith.constant 3 : i32
    %dma_start3A_81 = arith.constant 12288 : i32
    %dma_start3A_82 = tpu.memref_slice %arg9[%dma_start3A_81] : memref<65536xf32, #tpu.memory_space<vmem>> -> memref<4096xf32, #tpu.memory_space<vmem>>
    %dma_start3A_83 = tpu.memref_slice %arg6[%arg0, %dma_start3A_80, %mul3A_52] : memref<2x16x65536xf32, #tpu.memory_space<hbm>> -> memref<1x1x4096xf32, #tpu.memory_space<hbm>>
    %dma_start3A_84 = tpu.memref_squeeze %dma_start3A_83 : memref<1x1x4096xf32, #tpu.memory_space<hbm>> -> memref<4096xf32, #tpu.memory_space<hbm>>
    %dma_start3A_85 = arith.constant 12288 : i32
    %dma_start3A_86 = tpu.memref_slice %arg9[%dma_start3A_85] : memref<65536xf32, #tpu.memory_space<vmem>> -> memref<4096xf32, #tpu.memory_space<vmem>>
    %dma_start3A_87 = tpu.memref_slice %arg6[%arg0, %dma_start3A_80, %mul3A_52] : memref<2x16x65536xf32, #tpu.memory_space<hbm>> -> memref<1x1x4096xf32, #tpu.memory_space<hbm>>
    %dma_start3A_88 = tpu.memref_squeeze %dma_start3A_87 : memref<1x1x4096xf32, #tpu.memory_space<hbm>> -> memref<4096xf32, #tpu.memory_space<hbm>>
    tpu.enqueue_dma source(%dma_start3A_88 : memref<4096xf32, #tpu.memory_space<hbm>>) target(%dma_start3A_86 : memref<4096xf32, #tpu.memory_space<vmem>>) target_semaphore(%arg24 : memref<!tpu.dma_semaphore, #tpu.memory_space<semaphore_mem>>)
    %dma_start3A_89 = arith.constant 4 : i32
    %dma_start3A_90 = arith.constant 16384 : i32
    %dma_start3A_91 = tpu.memref_slice %arg9[%dma_start3A_90] : memref<65536xf32, #tpu.memory_space<vmem>> -> memref<4096xf32, #tpu.memory_space<vmem>>
    %dma_start3A_92 = tpu.memref_slice %arg6[%arg0, %dma_start3A_89, %mul3A_52] : memref<2x16x65536xf32, #tpu.memory_space<hbm>> -> memref<1x1x4096xf32, #tpu.memory_space<hbm>>
    %dma_start3A_93 = tpu.memref_squeeze %dma_start3A_92 : memref<1x1x4096xf32, #tpu.memory_space<hbm>> -> memref<4096xf32, #tpu.memory_space<hbm>>
    %dma_start3A_94 = arith.constant 16384 : i32
    %dma_start3A_95 = tpu.memref_slice %arg9[%dma_start3A_94] : memref<65536xf32, #tpu.memory_space<vmem>> -> memref<4096xf32, #tpu.memory_space<vmem>>
    %dma_start3A_96 = tpu.memref_slice %arg6[%arg0, %dma_start3A_89, %mul3A_52] : memref<2x16x65536xf32, #tpu.memory_space<hbm>> -> memref<1x1x4096xf32, #tpu.memory_space<hbm>>
    %dma_start3A_97 = tpu.memref_squeeze %dma_start3A_96 : memref<1x1x4096xf32, #tpu.memory_space<hbm>> -> memref<4096xf32, #tpu.memory_space<hbm>>
    tpu.enqueue_dma source(%dma_start3A_97 : memref<4096xf32, #tpu.memory_space<hbm>>) target(%dma_start3A_95 : memref<4096xf32, #tpu.memory_space<vmem>>) target_semaphore(%arg24 : memref<!tpu.dma_semaphore, #tpu.memory_space<semaphore_mem>>)
    %dma_start3A_98 = arith.constant 5 : i32
    %dma_start3A_99 = arith.constant 20480 : i32
    %dma_start3A_100 = tpu.memref_slice %arg9[%dma_start3A_99] : memref<65536xf32, #tpu.memory_space<vmem>> -> memref<4096xf32, #tpu.memory_space<vmem>>
    %dma_start3A_101 = tpu.memref_slice %arg6[%arg0, %dma_start3A_98, %mul3A_52] : memref<2x16x65536xf32, #tpu.memory_space<hbm>> -> memref<1x1x4096xf32, #tpu.memory_space<hbm>>
    %dma_start3A_102 = tpu.memref_squeeze %dma_start3A_101 : memref<1x1x4096xf32, #tpu.memory_space<hbm>> -> memref<4096xf32, #tpu.memory_space<hbm>>
    %dma_start3A_103 = arith.constant 20480 : i32
    %dma_start3A_104 = tpu.memref_slice %arg9[%dma_start3A_103] : memref<65536xf32, #tpu.memory_space<vmem>> -> memref<4096xf32, #tpu.memory_space<vmem>>
    %dma_start3A_105 = tpu.memref_slice %arg6[%arg0, %dma_start3A_98, %mul3A_52] : memref<2x16x65536xf32, #tpu.memory_space<hbm>> -> memref<1x1x4096xf32, #tpu.memory_space<hbm>>
    %dma_start3A_106 = tpu.memref_squeeze %dma_start3A_105 : memref<1x1x4096xf32, #tpu.memory_space<hbm>> -> memref<4096xf32, #tpu.memory_space<hbm>>
    tpu.enqueue_dma source(%dma_start3A_106 : memref<4096xf32, #tpu.memory_space<hbm>>) target(%dma_start3A_104 : memref<4096xf32, #tpu.memory_space<vmem>>) target_semaphore(%arg24 : memref<!tpu.dma_semaphore, #tpu.memory_space<semaphore_mem>>)
    %dma_start3A_107 = arith.constant 6 : i32
    %dma_start3A_108 = arith.constant 24576 : i32
    %dma_start3A_109 = tpu.memref_slice %arg9[%dma_start3A_108] : memref<65536xf32, #tpu.memory_space<vmem>> -> memref<4096xf32, #tpu.memory_space<vmem>>
    %dma_start3A_110 = tpu.memref_slice %arg6[%arg0, %dma_start3A_107, %mul3A_52] : memref<2x16x65536xf32, #tpu.memory_space<hbm>> -> memref<1x1x4096xf32, #tpu.memory_space<hbm>>
    %dma_start3A_111 = tpu.memref_squeeze %dma_start3A_110 : memref<1x1x4096xf32, #tpu.memory_space<hbm>> -> memref<4096xf32, #tpu.memory_space<hbm>>
    %dma_start3A_112 = arith.constant 24576 : i32
    %dma_start3A_113 = tpu.memref_slice %arg9[%dma_start3A_112] : memref<65536xf32, #tpu.memory_space<vmem>> -> memref<4096xf32, #tpu.memory_space<vmem>>
    %dma_start3A_114 = tpu.memref_slice %arg6[%arg0, %dma_start3A_107, %mul3A_52] : memref<2x16x65536xf32, #tpu.memory_space<hbm>> -> memref<1x1x4096xf32, #tpu.memory_space<hbm>>
    %dma_start3A_115 = tpu.memref_squeeze %dma_start3A_114 : memref<1x1x4096xf32, #tpu.memory_space<hbm>> -> memref<4096xf32, #tpu.memory_space<hbm>>
    tpu.enqueue_dma source(%dma_start3A_115 : memref<4096xf32, #tpu.memory_space<hbm>>) target(%dma_start3A_113 : memref<4096xf32, #tpu.memory_space<vmem>>) target_semaphore(%arg24 : memref<!tpu.dma_semaphore, #tpu.memory_space<semaphore_mem>>)
    %dma_start3A_116 = arith.constant 7 : i32
    %dma_start3A_117 = arith.constant 28672 : i32
    %dma_start3A_118 = tpu.memref_slice %arg9[%dma_start3A_117] : memref<65536xf32, #tpu.memory_space<vmem>> -> memref<4096xf32, #tpu.memory_space<vmem>>
    %dma_start3A_119 = tpu.memref_slice %arg6[%arg0, %dma_start3A_116, %mul3A_52] : memref<2x16x65536xf32, #tpu.memory_space<hbm>> -> memref<1x1x4096xf32, #tpu.memory_space<hbm>>
    %dma_start3A_120 = tpu.memref_squeeze %dma_start3A_119 : memref<1x1x4096xf32, #tpu.memory_space<hbm>> -> memref<4096xf32, #tpu.memory_space<hbm>>
    %dma_start3A_121 = arith.constant 28672 : i32
    %dma_start3A_122 = tpu.memref_slice %arg9[%dma_start3A_121] : memref<65536xf32, #tpu.memory_space<vmem>> -> memref<4096xf32, #tpu.memory_space<vmem>>
    %dma_start3A_123 = tpu.memref_slice %arg6[%arg0, %dma_start3A_116, %mul3A_52] : memref<2x16x65536xf32, #tpu.memory_space<hbm>> -> memref<1x1x4096xf32, #tpu.memory_space<hbm>>
    %dma_start3A_124 = tpu.memref_squeeze %dma_start3A_123 : memref<1x1x4096xf32, #tpu.memory_space<hbm>> -> memref<4096xf32, #tpu.memory_space<hbm>>
    tpu.enqueue_dma source(%dma_start3A_124 : memref<4096xf32, #tpu.memory_space<hbm>>) target(%dma_start3A_122 : memref<4096xf32, #tpu.memory_space<vmem>>) target_semaphore(%arg24 : memref<!tpu.dma_semaphore, #tpu.memory_space<semaphore_mem>>)
    %dma_start3A_125 = arith.constant 8 : i32
    %dma_start3A_126 = arith.constant 32768 : i32
    %dma_start3A_127 = tpu.memref_slice %arg9[%dma_start3A_126] : memref<65536xf32, #tpu.memory_space<vmem>> -> memref<4096xf32, #tpu.memory_space<vmem>>
    %dma_start3A_128 = tpu.memref_slice %arg6[%arg0, %dma_start3A_125, %mul3A_52] : memref<2x16x65536xf32, #tpu.memory_space<hbm>> -> memref<1x1x4096xf32, #tpu.memory_space<hbm>>
    %dma_start3A_129 = tpu.memref_squeeze %dma_start3A_128 : memref<1x1x4096xf32, #tpu.memory_space<hbm>> -> memref<4096xf32, #tpu.memory_space<hbm>>
    %dma_start3A_130 = arith.constant 32768 : i32
    %dma_start3A_131 = tpu.memref_slice %arg9[%dma_start3A_130] : memref<65536xf32, #tpu.memory_space<vmem>> -> memref<4096xf32, #tpu.memory_space<vmem>>
    %dma_start3A_132 = tpu.memref_slice %arg6[%arg0, %dma_start3A_125, %mul3A_52] : memref<2x16x65536xf32, #tpu.memory_space<hbm>> -> memref<1x1x4096xf32, #tpu.memory_space<hbm>>
    %dma_start3A_133 = tpu.memref_squeeze %dma_start3A_132 : memref<1x1x4096xf32, #tpu.memory_space<hbm>> -> memref<4096xf32, #tpu.memory_space<hbm>>
    tpu.enqueue_dma source(%dma_start3A_133 : memref<4096xf32, #tpu.memory_space<hbm>>) target(%dma_start3A_131 : memref<4096xf32, #tpu.memory_space<vmem>>) target_semaphore(%arg24 : memref<!tpu.dma_semaphore, #tpu.memory_space<semaphore_mem>>)
    %dma_start3A_134 = arith.constant 9 : i32
    %dma_start3A_135 = arith.constant 36864 : i32
    %dma_start3A_136 = tpu.memref_slice %arg9[%dma_start3A_135] : memref<65536xf32, #tpu.memory_space<vmem>> -> memref<4096xf32, #tpu.memory_space<vmem>>
    %dma_start3A_137 = tpu.memref_slice %arg6[%arg0, %dma_start3A_134, %mul3A_52] : memref<2x16x65536xf32, #tpu.memory_space<hbm>> -> memref<1x1x4096xf32, #tpu.memory_space<hbm>>
    %dma_start3A_138 = tpu.memref_squeeze %dma_start3A_137 : memref<1x1x4096xf32, #tpu.memory_space<hbm>> -> memref<4096xf32, #tpu.memory_space<hbm>>
    %dma_start3A_139 = arith.constant 36864 : i32
    %dma_start3A_140 = tpu.memref_slice %arg9[%dma_start3A_139] : memref<65536xf32, #tpu.memory_space<vmem>> -> memref<4096xf32, #tpu.memory_space<vmem>>
    %dma_start3A_141 = tpu.memref_slice %arg6[%arg0, %dma_start3A_134, %mul3A_52] : memref<2x16x65536xf32, #tpu.memory_space<hbm>> -> memref<1x1x4096xf32, #tpu.memory_space<hbm>>
    %dma_start3A_142 = tpu.memref_squeeze %dma_start3A_141 : memref<1x1x4096xf32, #tpu.memory_space<hbm>> -> memref<4096xf32, #tpu.memory_space<hbm>>
    tpu.enqueue_dma source(%dma_start3A_142 : memref<4096xf32, #tpu.memory_space<hbm>>) target(%dma_start3A_140 : memref<4096xf32, #tpu.memory_space<vmem>>) target_semaphore(%arg24 : memref<!tpu.dma_semaphore, #tpu.memory_space<semaphore_mem>>)
    %dma_start3A_143 = arith.constant 10 : i32
    %dma_start3A_144 = arith.constant 40960 : i32
    %dma_start3A_145 = tpu.memref_slice %arg9[%dma_start3A_144] : memref<65536xf32, #tpu.memory_space<vmem>> -> memref<4096xf32, #tpu.memory_space<vmem>>
    %dma_start3A_146 = tpu.memref_slice %arg6[%arg0, %dma_start3A_143, %mul3A_52] : memref<2x16x65536xf32, #tpu.memory_space<hbm>> -> memref<1x1x4096xf32, #tpu.memory_space<hbm>>
    %dma_start3A_147 = tpu.memref_squeeze %dma_start3A_146 : memref<1x1x4096xf32, #tpu.memory_space<hbm>> -> memref<4096xf32, #tpu.memory_space<hbm>>
    %dma_start3A_148 = arith.constant 40960 : i32
    %dma_start3A_149 = tpu.memref_slice %arg9[%dma_start3A_148] : memref<65536xf32, #tpu.memory_space<vmem>> -> memref<4096xf32, #tpu.memory_space<vmem>>
    %dma_start3A_150 = tpu.memref_slice %arg6[%arg0, %dma_start3A_143, %mul3A_52] : memref<2x16x65536xf32, #tpu.memory_space<hbm>> -> memref<1x1x4096xf32, #tpu.memory_space<hbm>>
    %dma_start3A_151 = tpu.memref_squeeze %dma_start3A_150 : memref<1x1x4096xf32, #tpu.memory_space<hbm>> -> memref<4096xf32, #tpu.memory_space<hbm>>
    tpu.enqueue_dma source(%dma_start3A_151 : memref<4096xf32, #tpu.memory_space<hbm>>) target(%dma_start3A_149 : memref<4096xf32, #tpu.memory_space<vmem>>) target_semaphore(%arg24 : memref<!tpu.dma_semaphore, #tpu.memory_space<semaphore_mem>>)
    %dma_start3A_152 = arith.constant 11 : i32
    %dma_start3A_153 = arith.constant 45056 : i32
    %dma_start3A_154 = tpu.memref_slice %arg9[%dma_start3A_153] : memref<65536xf32, #tpu.memory_space<vmem>> -> memref<4096xf32, #tpu.memory_space<vmem>>
    %dma_start3A_155 = tpu.memref_slice %arg6[%arg0, %dma_start3A_152, %mul3A_52] : memref<2x16x65536xf32, #tpu.memory_space<hbm>> -> memref<1x1x4096xf32, #tpu.memory_space<hbm>>
    %dma_start3A_156 = tpu.memref_squeeze %dma_start3A_155 : memref<1x1x4096xf32, #tpu.memory_space<hbm>> -> memref<4096xf32, #tpu.memory_space<hbm>>
    %dma_start3A_157 = arith.constant 45056 : i32
    %dma_start3A_158 = tpu.memref_slice %arg9[%dma_start3A_157] : memref<65536xf32, #tpu.memory_space<vmem>> -> memref<4096xf32, #tpu.memory_space<vmem>>
    %dma_start3A_159 = tpu.memref_slice %arg6[%arg0, %dma_start3A_152, %mul3A_52] : memref<2x16x65536xf32, #tpu.memory_space<hbm>> -> memref<1x1x4096xf32, #tpu.memory_space<hbm>>
    %dma_start3A_160 = tpu.memref_squeeze %dma_start3A_159 : memref<1x1x4096xf32, #tpu.memory_space<hbm>> -> memref<4096xf32, #tpu.memory_space<hbm>>
    tpu.enqueue_dma source(%dma_start3A_160 : memref<4096xf32, #tpu.memory_space<hbm>>) target(%dma_start3A_158 : memref<4096xf32, #tpu.memory_space<vmem>>) target_semaphore(%arg24 : memref<!tpu.dma_semaphore, #tpu.memory_space<semaphore_mem>>)
    %dma_start3A_161 = arith.constant 12 : i32
    %dma_start3A_162 = arith.constant 49152 : i32
    %dma_start3A_163 = tpu.memref_slice %arg9[%dma_start3A_162] : memref<65536xf32, #tpu.memory_space<vmem>> -> memref<4096xf32, #tpu.memory_space<vmem>>
    %dma_start3A_164 = tpu.memref_slice %arg6[%arg0, %dma_start3A_161, %mul3A_52] : memref<2x16x65536xf32, #tpu.memory_space<hbm>> -> memref<1x1x4096xf32, #tpu.memory_space<hbm>>
    %dma_start3A_165 = tpu.memref_squeeze %dma_start3A_164 : memref<1x1x4096xf32, #tpu.memory_space<hbm>> -> memref<4096xf32, #tpu.memory_space<hbm>>
    %dma_start3A_166 = arith.constant 49152 : i32
    %dma_start3A_167 = tpu.memref_slice %arg9[%dma_start3A_166] : memref<65536xf32, #tpu.memory_space<vmem>> -> memref<4096xf32, #tpu.memory_space<vmem>>
    %dma_start3A_168 = tpu.memref_slice %arg6[%arg0, %dma_start3A_161, %mul3A_52] : memref<2x16x65536xf32, #tpu.memory_space<hbm>> -> memref<1x1x4096xf32, #tpu.memory_space<hbm>>
    %dma_start3A_169 = tpu.memref_squeeze %dma_start3A_168 : memref<1x1x4096xf32, #tpu.memory_space<hbm>> -> memref<4096xf32, #tpu.memory_space<hbm>>
    tpu.enqueue_dma source(%dma_start3A_169 : memref<4096xf32, #tpu.memory_space<hbm>>) target(%dma_start3A_167 : memref<4096xf32, #tpu.memory_space<vmem>>) target_semaphore(%arg24 : memref<!tpu.dma_semaphore, #tpu.memory_space<semaphore_mem>>)
    %dma_start3A_170 = arith.constant 13 : i32
    %dma_start3A_171 = arith.constant 53248 : i32
    %dma_start3A_172 = tpu.memref_slice %arg9[%dma_start3A_171] : memref<65536xf32, #tpu.memory_space<vmem>> -> memref<4096xf32, #tpu.memory_space<vmem>>
    %dma_start3A_173 = tpu.memref_slice %arg6[%arg0, %dma_start3A_170, %mul3A_52] : memref<2x16x65536xf32, #tpu.memory_space<hbm>> -> memref<1x1x4096xf32, #tpu.memory_space<hbm>>
    %dma_start3A_174 = tpu.memref_squeeze %dma_start3A_173 : memref<1x1x4096xf32, #tpu.memory_space<hbm>> -> memref<4096xf32, #tpu.memory_space<hbm>>
    %dma_start3A_175 = arith.constant 53248 : i32
    %dma_start3A_176 = tpu.memref_slice %arg9[%dma_start3A_175] : memref<65536xf32, #tpu.memory_space<vmem>> -> memref<4096xf32, #tpu.memory_space<vmem>>
    %dma_start3A_177 = tpu.memref_slice %arg6[%arg0, %dma_start3A_170, %mul3A_52] : memref<2x16x65536xf32, #tpu.memory_space<hbm>> -> memref<1x1x4096xf32, #tpu.memory_space<hbm>>
    %dma_start3A_178 = tpu.memref_squeeze %dma_start3A_177 : memref<1x1x4096xf32, #tpu.memory_space<hbm>> -> memref<4096xf32, #tpu.memory_space<hbm>>
    tpu.enqueue_dma source(%dma_start3A_178 : memref<4096xf32, #tpu.memory_space<hbm>>) target(%dma_start3A_176 : memref<4096xf32, #tpu.memory_space<vmem>>) target_semaphore(%arg24 : memref<!tpu.dma_semaphore, #tpu.memory_space<semaphore_mem>>)
    %dma_start3A_179 = arith.constant 14 : i32
    %dma_start3A_180 = arith.constant 57344 : i32
    %dma_start3A_181 = tpu.memref_slice %arg9[%dma_start3A_180] : memref<65536xf32, #tpu.memory_space<vmem>> -> memref<4096xf32, #tpu.memory_space<vmem>>
    %dma_start3A_182 = tpu.memref_slice %arg6[%arg0, %dma_start3A_179, %mul3A_52] : memref<2x16x65536xf32, #tpu.memory_space<hbm>> -> memref<1x1x4096xf32, #tpu.memory_space<hbm>>
    %dma_start3A_183 = tpu.memref_squeeze %dma_start3A_182 : memref<1x1x4096xf32, #tpu.memory_space<hbm>> -> memref<4096xf32, #tpu.memory_space<hbm>>
    %dma_start3A_184 = arith.constant 57344 : i32
    %dma_start3A_185 = tpu.memref_slice %arg9[%dma_start3A_184] : memref<65536xf32, #tpu.memory_space<vmem>> -> memref<4096xf32, #tpu.memory_space<vmem>>
    %dma_start3A_186 = tpu.memref_slice %arg6[%arg0, %dma_start3A_179, %mul3A_52] : memref<2x16x65536xf32, #tpu.memory_space<hbm>> -> memref<1x1x4096xf32, #tpu.memory_space<hbm>>
    %dma_start3A_187 = tpu.memref_squeeze %dma_start3A_186 : memref<1x1x4096xf32, #tpu.memory_space<hbm>> -> memref<4096xf32, #tpu.memory_space<hbm>>
    tpu.enqueue_dma source(%dma_start3A_187 : memref<4096xf32, #tpu.memory_space<hbm>>) target(%dma_start3A_185 : memref<4096xf32, #tpu.memory_space<vmem>>) target_semaphore(%arg24 : memref<!tpu.dma_semaphore, #tpu.memory_space<semaphore_mem>>)
    %dma_start3A_188 = arith.constant 15 : i32
    %dma_start3A_189 = arith.constant 61440 : i32
    %dma_start3A_190 = tpu.memref_slice %arg9[%dma_start3A_189] : memref<65536xf32, #tpu.memory_space<vmem>> -> memref<4096xf32, #tpu.memory_space<vmem>>
    %dma_start3A_191 = tpu.memref_slice %arg6[%arg0, %dma_start3A_188, %mul3A_52] : memref<2x16x65536xf32, #tpu.memory_space<hbm>> -> memref<1x1x4096xf32, #tpu.memory_space<hbm>>
    %dma_start3A_192 = tpu.memref_squeeze %dma_start3A_191 : memref<1x1x4096xf32, #tpu.memory_space<hbm>> -> memref<4096xf32, #tpu.memory_space<hbm>>
    %dma_start3A_193 = arith.constant 61440 : i32
    %dma_start3A_194 = tpu.memref_slice %arg9[%dma_start3A_193] : memref<65536xf32, #tpu.memory_space<vmem>> -> memref<4096xf32, #tpu.memory_space<vmem>>
    %dma_start3A_195 = tpu.memref_slice %arg6[%arg0, %dma_start3A_188, %mul3A_52] : memref<2x16x65536xf32, #tpu.memory_space<hbm>> -> memref<1x1x4096xf32, #tpu.memory_space<hbm>>
    %dma_start3A_196 = tpu.memref_squeeze %dma_start3A_195 : memref<1x1x4096xf32, #tpu.memory_space<hbm>> -> memref<4096xf32, #tpu.memory_space<hbm>>
    tpu.enqueue_dma source(%dma_start3A_196 : memref<4096xf32, #tpu.memory_space<hbm>>) target(%dma_start3A_194 : memref<4096xf32, #tpu.memory_space<vmem>>) target_semaphore(%arg24 : memref<!tpu.dma_semaphore, #tpu.memory_space<semaphore_mem>>)
    %dma_wait3A = arith.constant 0 : i32
    %dma_wait3A_197 = arith.constant 0 : i32
    %dma_wait3A_198 = tpu.memref_slice %arg9[%dma_wait3A_197] : memref<65536xf32, #tpu.memory_space<vmem>> -> memref<4096xf32, #tpu.memory_space<vmem>>
    %dma_wait3A_199 = tpu.memref_slice %arg6[%arg0, %dma_wait3A, %mul3A_52] : memref<2x16x65536xf32, #tpu.memory_space<hbm>> -> memref<1x1x4096xf32, #tpu.memory_space<hbm>>
    %dma_wait3A_200 = tpu.memref_squeeze %dma_wait3A_199 : memref<1x1x4096xf32, #tpu.memory_space<hbm>> -> memref<4096xf32, #tpu.memory_space<hbm>>
    %dma_wait3A_201 = arith.constant 0 : i32
    %dma_wait3A_202 = tpu.memref_slice %arg9[%dma_wait3A_201] : memref<65536xf32, #tpu.memory_space<vmem>> -> memref<4096xf32, #tpu.memory_space<vmem>>
    %dma_wait3A_203 = tpu.memref_slice %arg6[%arg0, %dma_wait3A, %mul3A_52] : memref<2x16x65536xf32, #tpu.memory_space<hbm>> -> memref<1x1x4096xf32, #tpu.memory_space<hbm>>
    %dma_wait3A_204 = tpu.memref_squeeze %dma_wait3A_203 : memref<1x1x4096xf32, #tpu.memory_space<hbm>> -> memref<4096xf32, #tpu.memory_space<hbm>>
    tpu.wait_dma2 semaphore(%arg24 : memref<!tpu.dma_semaphore, #tpu.memory_space<semaphore_mem>>) src(%dma_wait3A_204 : memref<4096xf32, #tpu.memory_space<hbm>>) dst(%dma_wait3A_202 : memref<4096xf32, #tpu.memory_space<vmem>>)
    %dma_wait3A_205 = arith.constant 1 : i32
    %dma_wait3A_206 = arith.constant 4096 : i32
    %dma_wait3A_207 = tpu.memref_slice %arg9[%dma_wait3A_206] : memref<65536xf32, #tpu.memory_space<vmem>> -> memref<4096xf32, #tpu.memory_space<vmem>>
    %dma_wait3A_208 = tpu.memref_slice %arg6[%arg0, %dma_wait3A_205, %mul3A_52] : memref<2x16x65536xf32, #tpu.memory_space<hbm>> -> memref<1x1x4096xf32, #tpu.memory_space<hbm>>
    %dma_wait3A_209 = tpu.memref_squeeze %dma_wait3A_208 : memref<1x1x4096xf32, #tpu.memory_space<hbm>> -> memref<4096xf32, #tpu.memory_space<hbm>>
    %dma_wait3A_210 = arith.constant 4096 : i32
    %dma_wait3A_211 = tpu.memref_slice %arg9[%dma_wait3A_210] : memref<65536xf32, #tpu.memory_space<vmem>> -> memref<4096xf32, #tpu.memory_space<vmem>>
    %dma_wait3A_212 = tpu.memref_slice %arg6[%arg0, %dma_wait3A_205, %mul3A_52] : memref<2x16x65536xf32, #tpu.memory_space<hbm>> -> memref<1x1x4096xf32, #tpu.memory_space<hbm>>
    %dma_wait3A_213 = tpu.memref_squeeze %dma_wait3A_212 : memref<1x1x4096xf32, #tpu.memory_space<hbm>> -> memref<4096xf32, #tpu.memory_space<hbm>>
    tpu.wait_dma2 semaphore(%arg24 : memref<!tpu.dma_semaphore, #tpu.memory_space<semaphore_mem>>) src(%dma_wait3A_213 : memref<4096xf32, #tpu.memory_space<hbm>>) dst(%dma_wait3A_211 : memref<4096xf32, #tpu.memory_space<vmem>>)
    %dma_wait3A_214 = arith.constant 2 : i32
    %dma_wait3A_215 = arith.constant 8192 : i32
    %dma_wait3A_216 = tpu.memref_slice %arg9[%dma_wait3A_215] : memref<65536xf32, #tpu.memory_space<vmem>> -> memref<4096xf32, #tpu.memory_space<vmem>>
    %dma_wait3A_217 = tpu.memref_slice %arg6[%arg0, %dma_wait3A_214, %mul3A_52] : memref<2x16x65536xf32, #tpu.memory_space<hbm>> -> memref<1x1x4096xf32, #tpu.memory_space<hbm>>
    %dma_wait3A_218 = tpu.memref_squeeze %dma_wait3A_217 : memref<1x1x4096xf32, #tpu.memory_space<hbm>> -> memref<4096xf32, #tpu.memory_space<hbm>>
    %dma_wait3A_219 = arith.constant 8192 : i32
    %dma_wait3A_220 = tpu.memref_slice %arg9[%dma_wait3A_219] : memref<65536xf32, #tpu.memory_space<vmem>> -> memref<4096xf32, #tpu.memory_space<vmem>>
    %dma_wait3A_221 = tpu.memref_slice %arg6[%arg0, %dma_wait3A_214, %mul3A_52] : memref<2x16x65536xf32, #tpu.memory_space<hbm>> -> memref<1x1x4096xf32, #tpu.memory_space<hbm>>
    %dma_wait3A_222 = tpu.memref_squeeze %dma_wait3A_221 : memref<1x1x4096xf32, #tpu.memory_space<hbm>> -> memref<4096xf32, #tpu.memory_space<hbm>>
    tpu.wait_dma2 semaphore(%arg24 : memref<!tpu.dma_semaphore, #tpu.memory_space<semaphore_mem>>) src(%dma_wait3A_222 : memref<4096xf32, #tpu.memory_space<hbm>>) dst(%dma_wait3A_220 : memref<4096xf32, #tpu.memory_space<vmem>>)
    %dma_wait3A_223 = arith.constant 3 : i32
    %dma_wait3A_224 = arith.constant 12288 : i32
    %dma_wait3A_225 = tpu.memref_slice %arg9[%dma_wait3A_224] : memref<65536xf32, #tpu.memory_space<vmem>> -> memref<4096xf32, #tpu.memory_space<vmem>>
    %dma_wait3A_226 = tpu.memref_slice %arg6[%arg0, %dma_wait3A_223, %mul3A_52] : memref<2x16x65536xf32, #tpu.memory_space<hbm>> -> memref<1x1x4096xf32, #tpu.memory_space<hbm>>
    %dma_wait3A_227 = tpu.memref_squeeze %dma_wait3A_226 : memref<1x1x4096xf32, #tpu.memory_space<hbm>> -> memref<4096xf32, #tpu.memory_space<hbm>>
    %dma_wait3A_228 = arith.constant 12288 : i32
    %dma_wait3A_229 = tpu.memref_slice %arg9[%dma_wait3A_228] : memref<65536xf32, #tpu.memory_space<vmem>> -> memref<4096xf32, #tpu.memory_space<vmem>>
    %dma_wait3A_230 = tpu.memref_slice %arg6[%arg0, %dma_wait3A_223, %mul3A_52] : memref<2x16x65536xf32, #tpu.memory_space<hbm>> -> memref<1x1x4096xf32, #tpu.memory_space<hbm>>
    %dma_wait3A_231 = tpu.memref_squeeze %dma_wait3A_230 : memref<1x1x4096xf32, #tpu.memory_space<hbm>> -> memref<4096xf32, #tpu.memory_space<hbm>>
    tpu.wait_dma2 semaphore(%arg24 : memref<!tpu.dma_semaphore, #tpu.memory_space<semaphore_mem>>) src(%dma_wait3A_231 : memref<4096xf32, #tpu.memory_space<hbm>>) dst(%dma_wait3A_229 : memref<4096xf32, #tpu.memory_space<vmem>>)
    %dma_wait3A_232 = arith.constant 4 : i32
    %dma_wait3A_233 = arith.constant 16384 : i32
    %dma_wait3A_234 = tpu.memref_slice %arg9[%dma_wait3A_233] : memref<65536xf32, #tpu.memory_space<vmem>> -> memref<4096xf32, #tpu.memory_space<vmem>>
    %dma_wait3A_235 = tpu.memref_slice %arg6[%arg0, %dma_wait3A_232, %mul3A_52] : memref<2x16x65536xf32, #tpu.memory_space<hbm>> -> memref<1x1x4096xf32, #tpu.memory_space<hbm>>
    %dma_wait3A_236 = tpu.memref_squeeze %dma_wait3A_235 : memref<1x1x4096xf32, #tpu.memory_space<hbm>> -> memref<4096xf32, #tpu.memory_space<hbm>>
    %dma_wait3A_237 = arith.constant 16384 : i32
    %dma_wait3A_238 = tpu.memref_slice %arg9[%dma_wait3A_237] : memref<65536xf32, #tpu.memory_space<vmem>> -> memref<4096xf32, #tpu.memory_space<vmem>>
    %dma_wait3A_239 = tpu.memref_slice %arg6[%arg0, %dma_wait3A_232, %mul3A_52] : memref<2x16x65536xf32, #tpu.memory_space<hbm>> -> memref<1x1x4096xf32, #tpu.memory_space<hbm>>
    %dma_wait3A_240 = tpu.memref_squeeze %dma_wait3A_239 : memref<1x1x4096xf32, #tpu.memory_space<hbm>> -> memref<4096xf32, #tpu.memory_space<hbm>>
    tpu.wait_dma2 semaphore(%arg24 : memref<!tpu.dma_semaphore, #tpu.memory_space<semaphore_mem>>) src(%dma_wait3A_240 : memref<4096xf32, #tpu.memory_space<hbm>>) dst(%dma_wait3A_238 : memref<4096xf32, #tpu.memory_space<vmem>>)
    %dma_wait3A_241 = arith.constant 5 : i32
    %dma_wait3A_242 = arith.constant 20480 : i32
    %dma_wait3A_243 = tpu.memref_slice %arg9[%dma_wait3A_242] : memref<65536xf32, #tpu.memory_space<vmem>> -> memref<4096xf32, #tpu.memory_space<vmem>>
    %dma_wait3A_244 = tpu.memref_slice %arg6[%arg0, %dma_wait3A_241, %mul3A_52] : memref<2x16x65536xf32, #tpu.memory_space<hbm>> -> memref<1x1x4096xf32, #tpu.memory_space<hbm>>
    %dma_wait3A_245 = tpu.memref_squeeze %dma_wait3A_244 : memref<1x1x4096xf32, #tpu.memory_space<hbm>> -> memref<4096xf32, #tpu.memory_space<hbm>>
    %dma_wait3A_246 = arith.constant 20480 : i32
    %dma_wait3A_247 = tpu.memref_slice %arg9[%dma_wait3A_246] : memref<65536xf32, #tpu.memory_space<vmem>> -> memref<4096xf32, #tpu.memory_space<vmem>>
    %dma_wait3A_248 = tpu.memref_slice %arg6[%arg0, %dma_wait3A_241, %mul3A_52] : memref<2x16x65536xf32, #tpu.memory_space<hbm>> -> memref<1x1x4096xf32, #tpu.memory_space<hbm>>
    %dma_wait3A_249 = tpu.memref_squeeze %dma_wait3A_248 : memref<1x1x4096xf32, #tpu.memory_space<hbm>> -> memref<4096xf32, #tpu.memory_space<hbm>>
    tpu.wait_dma2 semaphore(%arg24 : memref<!tpu.dma_semaphore, #tpu.memory_space<semaphore_mem>>) src(%dma_wait3A_249 : memref<4096xf32, #tpu.memory_space<hbm>>) dst(%dma_wait3A_247 : memref<4096xf32, #tpu.memory_space<vmem>>)
    %dma_wait3A_250 = arith.constant 6 : i32
    %dma_wait3A_251 = arith.constant 24576 : i32
    %dma_wait3A_252 = tpu.memref_slice %arg9[%dma_wait3A_251] : memref<65536xf32, #tpu.memory_space<vmem>> -> memref<4096xf32, #tpu.memory_space<vmem>>
    %dma_wait3A_253 = tpu.memref_slice %arg6[%arg0, %dma_wait3A_250, %mul3A_52] : memref<2x16x65536xf32, #tpu.memory_space<hbm>> -> memref<1x1x4096xf32, #tpu.memory_space<hbm>>
    %dma_wait3A_254 = tpu.memref_squeeze %dma_wait3A_253 : memref<1x1x4096xf32, #tpu.memory_space<hbm>> -> memref<4096xf32, #tpu.memory_space<hbm>>
    %dma_wait3A_255 = arith.constant 24576 : i32
    %dma_wait3A_256 = tpu.memref_slice %arg9[%dma_wait3A_255] : memref<65536xf32, #tpu.memory_space<vmem>> -> memref<4096xf32, #tpu.memory_space<vmem>>
    %dma_wait3A_257 = tpu.memref_slice %arg6[%arg0, %dma_wait3A_250, %mul3A_52] : memref<2x16x65536xf32, #tpu.memory_space<hbm>> -> memref<1x1x4096xf32, #tpu.memory_space<hbm>>
    %dma_wait3A_258 = tpu.memref_squeeze %dma_wait3A_257 : memref<1x1x4096xf32, #tpu.memory_space<hbm>> -> memref<4096xf32, #tpu.memory_space<hbm>>
    tpu.wait_dma2 semaphore(%arg24 : memref<!tpu.dma_semaphore, #tpu.memory_space<semaphore_mem>>) src(%dma_wait3A_258 : memref<4096xf32, #tpu.memory_space<hbm>>) dst(%dma_wait3A_256 : memref<4096xf32, #tpu.memory_space<vmem>>)
    %dma_wait3A_259 = arith.constant 7 : i32
    %dma_wait3A_260 = arith.constant 28672 : i32
    %dma_wait3A_261 = tpu.memref_slice %arg9[%dma_wait3A_260] : memref<65536xf32, #tpu.memory_space<vmem>> -> memref<4096xf32, #tpu.memory_space<vmem>>
    %dma_wait3A_262 = tpu.memref_slice %arg6[%arg0, %dma_wait3A_259, %mul3A_52] : memref<2x16x65536xf32, #tpu.memory_space<hbm>> -> memref<1x1x4096xf32, #tpu.memory_space<hbm>>
    %dma_wait3A_263 = tpu.memref_squeeze %dma_wait3A_262 : memref<1x1x4096xf32, #tpu.memory_space<hbm>> -> memref<4096xf32, #tpu.memory_space<hbm>>
    %dma_wait3A_264 = arith.constant 28672 : i32
    %dma_wait3A_265 = tpu.memref_slice %arg9[%dma_wait3A_264] : memref<65536xf32, #tpu.memory_space<vmem>> -> memref<4096xf32, #tpu.memory_space<vmem>>
    %dma_wait3A_266 = tpu.memref_slice %arg6[%arg0, %dma_wait3A_259, %mul3A_52] : memref<2x16x65536xf32, #tpu.memory_space<hbm>> -> memref<1x1x4096xf32, #tpu.memory_space<hbm>>
    %dma_wait3A_267 = tpu.memref_squeeze %dma_wait3A_266 : memref<1x1x4096xf32, #tpu.memory_space<hbm>> -> memref<4096xf32, #tpu.memory_space<hbm>>
    tpu.wait_dma2 semaphore(%arg24 : memref<!tpu.dma_semaphore, #tpu.memory_space<semaphore_mem>>) src(%dma_wait3A_267 : memref<4096xf32, #tpu.memory_space<hbm>>) dst(%dma_wait3A_265 : memref<4096xf32, #tpu.memory_space<vmem>>)
    %dma_wait3A_268 = arith.constant 8 : i32
    %dma_wait3A_269 = arith.constant 32768 : i32
    %dma_wait3A_270 = tpu.memref_slice %arg9[%dma_wait3A_269] : memref<65536xf32, #tpu.memory_space<vmem>> -> memref<4096xf32, #tpu.memory_space<vmem>>
    %dma_wait3A_271 = tpu.memref_slice %arg6[%arg0, %dma_wait3A_268, %mul3A_52] : memref<2x16x65536xf32, #tpu.memory_space<hbm>> -> memref<1x1x4096xf32, #tpu.memory_space<hbm>>
    %dma_wait3A_272 = tpu.memref_squeeze %dma_wait3A_271 : memref<1x1x4096xf32, #tpu.memory_space<hbm>> -> memref<4096xf32, #tpu.memory_space<hbm>>
    %dma_wait3A_273 = arith.constant 32768 : i32
    %dma_wait3A_274 = tpu.memref_slice %arg9[%dma_wait3A_273] : memref<65536xf32, #tpu.memory_space<vmem>> -> memref<4096xf32, #tpu.memory_space<vmem>>
    %dma_wait3A_275 = tpu.memref_slice %arg6[%arg0, %dma_wait3A_268, %mul3A_52] : memref<2x16x65536xf32, #tpu.memory_space<hbm>> -> memref<1x1x4096xf32, #tpu.memory_space<hbm>>
    %dma_wait3A_276 = tpu.memref_squeeze %dma_wait3A_275 : memref<1x1x4096xf32, #tpu.memory_space<hbm>> -> memref<4096xf32, #tpu.memory_space<hbm>>
    tpu.wait_dma2 semaphore(%arg24 : memref<!tpu.dma_semaphore, #tpu.memory_space<semaphore_mem>>) src(%dma_wait3A_276 : memref<4096xf32, #tpu.memory_space<hbm>>) dst(%dma_wait3A_274 : memref<4096xf32, #tpu.memory_space<vmem>>)
    %dma_wait3A_277 = arith.constant 9 : i32
    %dma_wait3A_278 = arith.constant 36864 : i32
    %dma_wait3A_279 = tpu.memref_slice %arg9[%dma_wait3A_278] : memref<65536xf32, #tpu.memory_space<vmem>> -> memref<4096xf32, #tpu.memory_space<vmem>>
    %dma_wait3A_280 = tpu.memref_slice %arg6[%arg0, %dma_wait3A_277, %mul3A_52] : memref<2x16x65536xf32, #tpu.memory_space<hbm>> -> memref<1x1x4096xf32, #tpu.memory_space<hbm>>
    %dma_wait3A_281 = tpu.memref_squeeze %dma_wait3A_280 : memref<1x1x4096xf32, #tpu.memory_space<hbm>> -> memref<4096xf32, #tpu.memory_space<hbm>>
    %dma_wait3A_282 = arith.constant 36864 : i32
    %dma_wait3A_283 = tpu.memref_slice %arg9[%dma_wait3A_282] : memref<65536xf32, #tpu.memory_space<vmem>> -> memref<4096xf32, #tpu.memory_space<vmem>>
    %dma_wait3A_284 = tpu.memref_slice %arg6[%arg0, %dma_wait3A_277, %mul3A_52] : memref<2x16x65536xf32, #tpu.memory_space<hbm>> -> memref<1x1x4096xf32, #tpu.memory_space<hbm>>
    %dma_wait3A_285 = tpu.memref_squeeze %dma_wait3A_284 : memref<1x1x4096xf32, #tpu.memory_space<hbm>> -> memref<4096xf32, #tpu.memory_space<hbm>>
    tpu.wait_dma2 semaphore(%arg24 : memref<!tpu.dma_semaphore, #tpu.memory_space<semaphore_mem>>) src(%dma_wait3A_285 : memref<4096xf32, #tpu.memory_space<hbm>>) dst(%dma_wait3A_283 : memref<4096xf32, #tpu.memory_space<vmem>>)
    %dma_wait3A_286 = arith.constant 10 : i32
    %dma_wait3A_287 = arith.constant 40960 : i32
    %dma_wait3A_288 = tpu.memref_slice %arg9[%dma_wait3A_287] : memref<65536xf32, #tpu.memory_space<vmem>> -> memref<4096xf32, #tpu.memory_space<vmem>>
    %dma_wait3A_289 = tpu.memref_slice %arg6[%arg0, %dma_wait3A_286, %mul3A_52] : memref<2x16x65536xf32, #tpu.memory_space<hbm>> -> memref<1x1x4096xf32, #tpu.memory_space<hbm>>
    %dma_wait3A_290 = tpu.memref_squeeze %dma_wait3A_289 : memref<1x1x4096xf32, #tpu.memory_space<hbm>> -> memref<4096xf32, #tpu.memory_space<hbm>>
    %dma_wait3A_291 = arith.constant 40960 : i32
    %dma_wait3A_292 = tpu.memref_slice %arg9[%dma_wait3A_291] : memref<65536xf32, #tpu.memory_space<vmem>> -> memref<4096xf32, #tpu.memory_space<vmem>>
    %dma_wait3A_293 = tpu.memref_slice %arg6[%arg0, %dma_wait3A_286, %mul3A_52] : memref<2x16x65536xf32, #tpu.memory_space<hbm>> -> memref<1x1x4096xf32, #tpu.memory_space<hbm>>
    %dma_wait3A_294 = tpu.memref_squeeze %dma_wait3A_293 : memref<1x1x4096xf32, #tpu.memory_space<hbm>> -> memref<4096xf32, #tpu.memory_space<hbm>>
    tpu.wait_dma2 semaphore(%arg24 : memref<!tpu.dma_semaphore, #tpu.memory_space<semaphore_mem>>) src(%dma_wait3A_294 : memref<4096xf32, #tpu.memory_space<hbm>>) dst(%dma_wait3A_292 : memref<4096xf32, #tpu.memory_space<vmem>>)
    %dma_wait3A_295 = arith.constant 11 : i32
    %dma_wait3A_296 = arith.constant 45056 : i32
    %dma_wait3A_297 = tpu.memref_slice %arg9[%dma_wait3A_296] : memref<65536xf32, #tpu.memory_space<vmem>> -> memref<4096xf32, #tpu.memory_space<vmem>>
    %dma_wait3A_298 = tpu.memref_slice %arg6[%arg0, %dma_wait3A_295, %mul3A_52] : memref<2x16x65536xf32, #tpu.memory_space<hbm>> -> memref<1x1x4096xf32, #tpu.memory_space<hbm>>
    %dma_wait3A_299 = tpu.memref_squeeze %dma_wait3A_298 : memref<1x1x4096xf32, #tpu.memory_space<hbm>> -> memref<4096xf32, #tpu.memory_space<hbm>>
    %dma_wait3A_300 = arith.constant 45056 : i32
    %dma_wait3A_301 = tpu.memref_slice %arg9[%dma_wait3A_300] : memref<65536xf32, #tpu.memory_space<vmem>> -> memref<4096xf32, #tpu.memory_space<vmem>>
    %dma_wait3A_302 = tpu.memref_slice %arg6[%arg0, %dma_wait3A_295, %mul3A_52] : memref<2x16x65536xf32, #tpu.memory_space<hbm>> -> memref<1x1x4096xf32, #tpu.memory_space<hbm>>
    %dma_wait3A_303 = tpu.memref_squeeze %dma_wait3A_302 : memref<1x1x4096xf32, #tpu.memory_space<hbm>> -> memref<4096xf32, #tpu.memory_space<hbm>>
    tpu.wait_dma2 semaphore(%arg24 : memref<!tpu.dma_semaphore, #tpu.memory_space<semaphore_mem>>) src(%dma_wait3A_303 : memref<4096xf32, #tpu.memory_space<hbm>>) dst(%dma_wait3A_301 : memref<4096xf32, #tpu.memory_space<vmem>>)
    %dma_wait3A_304 = arith.constant 12 : i32
    %dma_wait3A_305 = arith.constant 49152 : i32
    %dma_wait3A_306 = tpu.memref_slice %arg9[%dma_wait3A_305] : memref<65536xf32, #tpu.memory_space<vmem>> -> memref<4096xf32, #tpu.memory_space<vmem>>
    %dma_wait3A_307 = tpu.memref_slice %arg6[%arg0, %dma_wait3A_304, %mul3A_52] : memref<2x16x65536xf32, #tpu.memory_space<hbm>> -> memref<1x1x4096xf32, #tpu.memory_space<hbm>>
    %dma_wait3A_308 = tpu.memref_squeeze %dma_wait3A_307 : memref<1x1x4096xf32, #tpu.memory_space<hbm>> -> memref<4096xf32, #tpu.memory_space<hbm>>
    %dma_wait3A_309 = arith.constant 49152 : i32
    %dma_wait3A_310 = tpu.memref_slice %arg9[%dma_wait3A_309] : memref<65536xf32, #tpu.memory_space<vmem>> -> memref<4096xf32, #tpu.memory_space<vmem>>
    %dma_wait3A_311 = tpu.memref_slice %arg6[%arg0, %dma_wait3A_304, %mul3A_52] : memref<2x16x65536xf32, #tpu.memory_space<hbm>> -> memref<1x1x4096xf32, #tpu.memory_space<hbm>>
    %dma_wait3A_312 = tpu.memref_squeeze %dma_wait3A_311 : memref<1x1x4096xf32, #tpu.memory_space<hbm>> -> memref<4096xf32, #tpu.memory_space<hbm>>
    tpu.wait_dma2 semaphore(%arg24 : memref<!tpu.dma_semaphore, #tpu.memory_space<semaphore_mem>>) src(%dma_wait3A_312 : memref<4096xf32, #tpu.memory_space<hbm>>) dst(%dma_wait3A_310 : memref<4096xf32, #tpu.memory_space<vmem>>)
    %dma_wait3A_313 = arith.constant 13 : i32
    %dma_wait3A_314 = arith.constant 53248 : i32
    %dma_wait3A_315 = tpu.memref_slice %arg9[%dma_wait3A_314] : memref<65536xf32, #tpu.memory_space<vmem>> -> memref<4096xf32, #tpu.memory_space<vmem>>
    %dma_wait3A_316 = tpu.memref_slice %arg6[%arg0, %dma_wait3A_313, %mul3A_52] : memref<2x16x65536xf32, #tpu.memory_space<hbm>> -> memref<1x1x4096xf32, #tpu.memory_space<hbm>>
    %dma_wait3A_317 = tpu.memref_squeeze %dma_wait3A_316 : memref<1x1x4096xf32, #tpu.memory_space<hbm>> -> memref<4096xf32, #tpu.memory_space<hbm>>
    %dma_wait3A_318 = arith.constant 53248 : i32
    %dma_wait3A_319 = tpu.memref_slice %arg9[%dma_wait3A_318] : memref<65536xf32, #tpu.memory_space<vmem>> -> memref<4096xf32, #tpu.memory_space<vmem>>
    %dma_wait3A_320 = tpu.memref_slice %arg6[%arg0, %dma_wait3A_313, %mul3A_52] : memref<2x16x65536xf32, #tpu.memory_space<hbm>> -> memref<1x1x4096xf32, #tpu.memory_space<hbm>>
    %dma_wait3A_321 = tpu.memref_squeeze %dma_wait3A_320 : memref<1x1x4096xf32, #tpu.memory_space<hbm>> -> memref<4096xf32, #tpu.memory_space<hbm>>
    tpu.wait_dma2 semaphore(%arg24 : memref<!tpu.dma_semaphore, #tpu.memory_space<semaphore_mem>>) src(%dma_wait3A_321 : memref<4096xf32, #tpu.memory_space<hbm>>) dst(%dma_wait3A_319 : memref<4096xf32, #tpu.memory_space<vmem>>)
    %dma_wait3A_322 = arith.constant 14 : i32
    %dma_wait3A_323 = arith.constant 57344 : i32
    %dma_wait3A_324 = tpu.memref_slice %arg9[%dma_wait3A_323] : memref<65536xf32, #tpu.memory_space<vmem>> -> memref<4096xf32, #tpu.memory_space<vmem>>
    %dma_wait3A_325 = tpu.memref_slice %arg6[%arg0, %dma_wait3A_322, %mul3A_52] : memref<2x16x65536xf32, #tpu.memory_space<hbm>> -> memref<1x1x4096xf32, #tpu.memory_space<hbm>>
    %dma_wait3A_326 = tpu.memref_squeeze %dma_wait3A_325 : memref<1x1x4096xf32, #tpu.memory_space<hbm>> -> memref<4096xf32, #tpu.memory_space<hbm>>
    %dma_wait3A_327 = arith.constant 57344 : i32
    %dma_wait3A_328 = tpu.memref_slice %arg9[%dma_wait3A_327] : memref<65536xf32, #tpu.memory_space<vmem>> -> memref<4096xf32, #tpu.memory_space<vmem>>
    %dma_wait3A_329 = tpu.memref_slice %arg6[%arg0, %dma_wait3A_322, %mul3A_52] : memref<2x16x65536xf32, #tpu.memory_space<hbm>> -> memref<1x1x4096xf32, #tpu.memory_space<hbm>>
    %dma_wait3A_330 = tpu.memref_squeeze %dma_wait3A_329 : memref<1x1x4096xf32, #tpu.memory_space<hbm>> -> memref<4096xf32, #tpu.memory_space<hbm>>
    tpu.wait_dma2 semaphore(%arg24 : memref<!tpu.dma_semaphore, #tpu.memory_space<semaphore_mem>>) src(%dma_wait3A_330 : memref<4096xf32, #tpu.memory_space<hbm>>) dst(%dma_wait3A_328 : memref<4096xf32, #tpu.memory_space<vmem>>)
    %dma_wait3A_331 = arith.constant 15 : i32
    %dma_wait3A_332 = arith.constant 61440 : i32
    %dma_wait3A_333 = tpu.memref_slice %arg9[%dma_wait3A_332] : memref<65536xf32, #tpu.memory_space<vmem>> -> memref<4096xf32, #tpu.memory_space<vmem>>
    %dma_wait3A_334 = tpu.memref_slice %arg6[%arg0, %dma_wait3A_331, %mul3A_52] : memref<2x16x65536xf32, #tpu.memory_space<hbm>> -> memref<1x1x4096xf32, #tpu.memory_space<hbm>>
    %dma_wait3A_335 = tpu.memref_squeeze %dma_wait3A_334 : memref<1x1x4096xf32, #tpu.memory_space<hbm>> -> memref<4096xf32, #tpu.memory_space<hbm>>
    %dma_wait3A_336 = arith.constant 61440 : i32
    %dma_wait3A_337 = tpu.memref_slice %arg9[%dma_wait3A_336] : memref<65536xf32, #tpu.memory_space<vmem>> -> memref<4096xf32, #tpu.memory_space<vmem>>
    %dma_wait3A_338 = tpu.memref_slice %arg6[%arg0, %dma_wait3A_331, %mul3A_52] : memref<2x16x65536xf32, #tpu.memory_space<hbm>> -> memref<1x1x4096xf32, #tpu.memory_space<hbm>>
    %dma_wait3A_339 = tpu.memref_squeeze %dma_wait3A_338 : memref<1x1x4096xf32, #tpu.memory_space<hbm>> -> memref<4096xf32, #tpu.memory_space<hbm>>
    tpu.wait_dma2 semaphore(%arg24 : memref<!tpu.dma_semaphore, #tpu.memory_space<semaphore_mem>>) src(%dma_wait3A_339 : memref<4096xf32, #tpu.memory_space<hbm>>) dst(%dma_wait3A_337 : memref<4096xf32, #tpu.memory_space<vmem>>)
    %parallel_loop3A = arith.constant 0 : i32
    %parallel_loop3A_340 = arith.constant 4096 : i32
    %parallel_loop3A_341 = arith.constant 16 : i32
    scf.for %parallel_loop3A_342 = %parallel_loop3A to %parallel_loop3A_340 step %parallel_loop3A_341  : i32 {
      %parallel_loop3A_343 = arith.index_cast %parallel_loop3A_342 : i32 to index
      %parallel_loop3A_344 = tpu.vector_load %arg9[%parallel_loop3A_343] {strides = array<i32>} : memref<65536xf32, #tpu.memory_space<vmem>>, vector<16xf32>,
      %parallel_loop3A_345 = arith.constant 4096 : i32
      %parallel_loop3A_346 = arith.addi %parallel_loop3A_345, %parallel_loop3A_342 : i32
      %parallel_loop3A_347 = arith.index_cast %parallel_loop3A_346 : i32 to index
      %parallel_loop3A_348 = tpu.vector_load %arg9[%parallel_loop3A_347] {strides = array<i32>} : memref<65536xf32, #tpu.memory_space<vmem>>, vector<16xf32>,
      %parallel_loop3A_349 = arith.addf %parallel_loop3A_344, %parallel_loop3A_348 : vector<16xf32>
      %parallel_loop3A_350 = arith.constant 8192 : i32
      %parallel_loop3A_351 = arith.addi %parallel_loop3A_350, %parallel_loop3A_342 : i32
      %parallel_loop3A_352 = arith.index_cast %parallel_loop3A_351 : i32 to index
      %parallel_loop3A_353 = tpu.vector_load %arg9[%parallel_loop3A_352] {strides = array<i32>} : memref<65536xf32, #tpu.memory_space<vmem>>, vector<16xf32>,
      %parallel_loop3A_354 = arith.addf %parallel_loop3A_349, %parallel_loop3A_353 : vector<16xf32>
      %parallel_loop3A_355 = arith.constant 12288 : i32
      %parallel_loop3A_356 = arith.addi %parallel_loop3A_355, %parallel_loop3A_342 : i32
      %parallel_loop3A_357 = arith.index_cast %parallel_loop3A_356 : i32 to index
      %parallel_loop3A_358 = tpu.vector_load %arg9[%parallel_loop3A_357] {strides = array<i32>} : memref<65536xf32, #tpu.memory_space<vmem>>, vector<16xf32>,
      %parallel_loop3A_359 = arith.addf %parallel_loop3A_354, %parallel_loop3A_358 : vector<16xf32>
      %parallel_loop3A_360 = arith.constant 16384 : i32
      %parallel_loop3A_361 = arith.addi %parallel_loop3A_360, %parallel_loop3A_342 : i32
      %parallel_loop3A_362 = arith.index_cast %parallel_loop3A_361 : i32 to index
      %parallel_loop3A_363 = tpu.vector_load %arg9[%parallel_loop3A_362] {strides = array<i32>} : memref<65536xf32, #tpu.memory_space<vmem>>, vector<16xf32>,
      %parallel_loop3A_364 = arith.addf %parallel_loop3A_359, %parallel_loop3A_363 : vector<16xf32>
      %parallel_loop3A_365 = arith.constant 20480 : i32
      %parallel_loop3A_366 = arith.addi %parallel_loop3A_365, %parallel_loop3A_342 : i32
      %parallel_loop3A_367 = arith.index_cast %parallel_loop3A_366 : i32 to index
      %parallel_loop3A_368 = tpu.vector_load %arg9[%parallel_loop3A_367] {strides = array<i32>} : memref<65536xf32, #tpu.memory_space<vmem>>, vector<16xf32>,
      %parallel_loop3A_369 = arith.addf %parallel_loop3A_364, %parallel_loop3A_368 : vector<16xf32>
      %parallel_loop3A_370 = arith.constant 24576 : i32
      %parallel_loop3A_371 = arith.addi %parallel_loop3A_370, %parallel_loop3A_342 : i32
      %parallel_loop3A_372 = arith.index_cast %parallel_loop3A_371 : i32 to index
      %parallel_loop3A_373 = tpu.vector_load %arg9[%parallel_loop3A_372] {strides = array<i32>} : memref<65536xf32, #tpu.memory_space<vmem>>, vector<16xf32>,
      %parallel_loop3A_374 = arith.addf %parallel_loop3A_369, %parallel_loop3A_373 : vector<16xf32>
      %parallel_loop3A_375 = arith.constant 28672 : i32
      %parallel_loop3A_376 = arith.addi %parallel_loop3A_375, %parallel_loop3A_342 : i32
      %parallel_loop3A_377 = arith.index_cast %parallel_loop3A_376 : i32 to index
      %parallel_loop3A_378 = tpu.vector_load %arg9[%parallel_loop3A_377] {strides = array<i32>} : memref<65536xf32, #tpu.memory_space<vmem>>, vector<16xf32>,
      %parallel_loop3A_379 = arith.addf %parallel_loop3A_374, %parallel_loop3A_378 : vector<16xf32>
      %parallel_loop3A_380 = arith.constant 32768 : i32
      %parallel_loop3A_381 = arith.addi %parallel_loop3A_380, %parallel_loop3A_342 : i32
      %parallel_loop3A_382 = arith.index_cast %parallel_loop3A_381 : i32 to index
      %parallel_loop3A_383 = tpu.vector_load %arg9[%parallel_loop3A_382] {strides = array<i32>} : memref<65536xf32, #tpu.memory_space<vmem>>, vector<16xf32>,
      %parallel_loop3A_384 = arith.addf %parallel_loop3A_379, %parallel_loop3A_383 : vector<16xf32>
      %parallel_loop3A_385 = arith.constant 36864 : i32
      %parallel_loop3A_386 = arith.addi %parallel_loop3A_385, %parallel_loop3A_342 : i32
      %parallel_loop3A_387 = arith.index_cast %parallel_loop3A_386 : i32 to index
      %parallel_loop3A_388 = tpu.vector_load %arg9[%parallel_loop3A_387] {strides = array<i32>} : memref<65536xf32, #tpu.memory_space<vmem>>, vector<16xf32>,
      %parallel_loop3A_389 = arith.addf %parallel_loop3A_384, %parallel_loop3A_388 : vector<16xf32>
      %parallel_loop3A_390 = arith.constant 40960 : i32
      %parallel_loop3A_391 = arith.addi %parallel_loop3A_390, %parallel_loop3A_342 : i32
      %parallel_loop3A_392 = arith.index_cast %parallel_loop3A_391 : i32 to index
      %parallel_loop3A_393 = tpu.vector_load %arg9[%parallel_loop3A_392] {strides = array<i32>} : memref<65536xf32, #tpu.memory_space<vmem>>, vector<16xf32>,
      %parallel_loop3A_394 = arith.addf %parallel_loop3A_389, %parallel_loop3A_393 : vector<16xf32>
      %parallel_loop3A_395 = arith.constant 45056 : i32
      %parallel_loop3A_396 = arith.addi %parallel_loop3A_395, %parallel_loop3A_342 : i32
      %parallel_loop3A_397 = arith.index_cast %parallel_loop3A_396 : i32 to index
      %parallel_loop3A_398 = tpu.vector_load %arg9[%parallel_loop3A_397] {strides = array<i32>} : memref<65536xf32, #tpu.memory_space<vmem>>, vector<16xf32>,
      %parallel_loop3A_399 = arith.addf %parallel_loop3A_394, %parallel_loop3A_398 : vector<16xf32>
      %parallel_loop3A_400 = arith.constant 49152 : i32
      %parallel_loop3A_401 = arith.addi %parallel_loop3A_400, %parallel_loop3A_342 : i32
      %parallel_loop3A_402 = arith.index_cast %parallel_loop3A_401 : i32 to index
      %parallel_loop3A_403 = tpu.vector_load %arg9[%parallel_loop3A_402] {strides = array<i32>} : memref<65536xf32, #tpu.memory_space<vmem>>, vector<16xf32>,
      %parallel_loop3A_404 = arith.addf %parallel_loop3A_399, %parallel_loop3A_403 : vector<16xf32>
      %parallel_loop3A_405 = arith.constant 53248 : i32
      %parallel_loop3A_406 = arith.addi %parallel_loop3A_405, %parallel_loop3A_342 : i32
      %parallel_loop3A_407 = arith.index_cast %parallel_loop3A_406 : i32 to index
      %parallel_loop3A_408 = tpu.vector_load %arg9[%parallel_loop3A_407] {strides = array<i32>} : memref<65536xf32, #tpu.memory_space<vmem>>, vector<16xf32>,
      %parallel_loop3A_409 = arith.addf %parallel_loop3A_404, %parallel_loop3A_408 : vector<16xf32>
      %parallel_loop3A_410 = arith.constant 57344 : i32
      %parallel_loop3A_411 = arith.addi %parallel_loop3A_410, %parallel_loop3A_342 : i32
      %parallel_loop3A_412 = arith.index_cast %parallel_loop3A_411 : i32 to index
      %parallel_loop3A_413 = tpu.vector_load %arg9[%parallel_loop3A_412] {strides = array<i32>} : memref<65536xf32, #tpu.memory_space<vmem>>, vector<16xf32>,
      %parallel_loop3A_414 = arith.addf %parallel_loop3A_409, %parallel_loop3A_413 : vector<16xf32>
      %parallel_loop3A_415 = arith.constant 61440 : i32
      %parallel_loop3A_416 = arith.addi %parallel_loop3A_415, %parallel_loop3A_342 : i32
      %parallel_loop3A_417 = arith.index_cast %parallel_loop3A_416 : i32 to index
      %parallel_loop3A_418 = tpu.vector_load %arg9[%parallel_loop3A_417] {strides = array<i32>} : memref<65536xf32, #tpu.memory_space<vmem>>, vector<16xf32>,
      %parallel_loop3A_419 = arith.addf %parallel_loop3A_414, %parallel_loop3A_418 : vector<16xf32>
      %parallel_loop3A_420 = arith.index_cast %parallel_loop3A_342 : i32 to index
      %parallel_loop3A_421 = tpu.vector_load %arg10[%parallel_loop3A_420] {strides = array<i32>} : memref<4096xf32, #tpu.memory_space<vmem>>, vector<16xf32>,
      tpu.vector_store %arg10[%parallel_loop3A_420], %parallel_loop3A_419 {strides = array<i32>} : memref<4096xf32, #tpu.memory_space<vmem>>, vector<16xf32>,
    } {sc.loop_unroll_factor = 4 : i64, sc.parallel_access}
    "tpu.region"() ({
      %run_scoped3A = tpu.sem_alloc : memref<!tpu.dma_semaphore, #tpu.memory_space<semaphore_mem>>
      %dma_start3A_342 = tpu.memref_slice %arg7[%arg0, %mul3A_52] : memref<2x65536xf32, #tpu.memory_space<hbm>> -> memref<1x4096xf32, #tpu.memory_space<hbm>>
      %dma_start3A_343 = tpu.memref_squeeze %dma_start3A_342 : memref<1x4096xf32, #tpu.memory_space<hbm>> -> memref<4096xf32, #tpu.memory_space<hbm>>
      %dma_start3A_344 = tpu.memref_slice %arg7[%arg0, %mul3A_52] : memref<2x65536xf32, #tpu.memory_space<hbm>> -> memref<1x4096xf32, #tpu.memory_space<hbm>>
      %dma_start3A_345 = tpu.memref_squeeze %dma_start3A_344 : memref<1x4096xf32, #tpu.memory_space<hbm>> -> memref<4096xf32, #tpu.memory_space<hbm>>
      tpu.enqueue_dma source(%arg10 : memref<4096xf32, #tpu.memory_space<vmem>>) target(%dma_start3A_345 : memref<4096xf32, #tpu.memory_space<hbm>>) target_semaphore(%run_scoped3A : memref<!tpu.dma_semaphore, #tpu.memory_space<semaphore_mem>>)
      %dma_wait3A_346 = tpu.memref_slice %arg7[%arg0, %mul3A_52] : memref<2x65536xf32, #tpu.memory_space<hbm>> -> memref<1x4096xf32, #tpu.memory_space<hbm>>
      %dma_wait3A_347 = tpu.memref_squeeze %dma_wait3A_346 : memref<1x4096xf32, #tpu.memory_space<hbm>> -> memref<4096xf32, #tpu.memory_space<hbm>>
      %dma_wait3A_348 = tpu.memref_slice %arg7[%arg0, %mul3A_52] : memref<2x65536xf32, #tpu.memory_space<hbm>> -> memref<1x4096xf32, #tpu.memory_space<hbm>>
      %dma_wait3A_349 = tpu.memref_squeeze %dma_wait3A_348 : memref<1x4096xf32, #tpu.memory_space<hbm>> -> memref<4096xf32, #tpu.memory_space<hbm>>
      tpu.wait_dma2 semaphore(%run_scoped3A : memref<!tpu.dma_semaphore, #tpu.memory_space<semaphore_mem>>) src(%arg10 : memref<4096xf32, #tpu.memory_space<vmem>>) dst(%dma_wait3A_349 : memref<4096xf32, #tpu.memory_space<hbm>>)
      tpu.yield
    }) : () -> ()
    return
  }
}

module attributes {stable_mosaic.version = 14 : i64} {
  func.func @_combine_body(%arg0: memref<2x65536xf32, #tpu.memory_space<vmem>>, %arg1: memref<65536xf32, #tpu.memory_space<vmem>>, %arg2: memref<65536xf32, #tpu.memory_space<vmem>>) attributes {dimension_semantics = [], scalar_prefetch = 0 : i64, scratch_operands = 0 : i64, tpu.core_type = #tpu.core_type<tc>} {
    %get3A = arith.constant 0 : index
    %get3A_0 = arith.constant 0 : index
    %get3A_1 = vector.load %arg0[%get3A, %get3A_0] : memref<2x65536xf32, #tpu.memory_space<vmem>>, vector<1x65536xf32>
    %get3A_2 = vector.shape_cast %get3A_1 : vector<1x65536xf32> to vector<65536xf32>
    %get3A_3 = arith.constant 1 : index
    %get3A_4 = arith.constant 0 : index
    %get3A_5 = vector.load %arg0[%get3A_3, %get3A_4] : memref<2x65536xf32, #tpu.memory_space<vmem>>, vector<1x65536xf32>
    %get3A_6 = vector.shape_cast %get3A_5 : vector<1x65536xf32> to vector<65536xf32>
    %add3A = arith.addf %get3A_2, %get3A_6 : vector<65536xf32>
    %get3A_7 = arith.constant 0 : index
    %get3A_8 = vector.load %arg1[%get3A_7] : memref<65536xf32, #tpu.memory_space<vmem>>, vector<65536xf32>
    %mul3A = arith.constant 1.000000e-01 : f32
    %mul3A_9 = vector.broadcast %mul3A : f32 to vector<65536xf32>
    %mul3A_10 = arith.mulf %mul3A_9, %get3A_8 : vector<65536xf32>
    %sub3A = arith.subf %add3A, %mul3A_10 : vector<65536xf32>
    %swap3A = arith.constant 0 : index
    %swap3A_11 = vector.load %arg2[%swap3A] : memref<65536xf32, #tpu.memory_space<vmem>>, vector<65536xf32>
    tpu.vector_store %arg2[%swap3A], %sub3A {strides = array<i32>} : memref<65536xf32, #tpu.memory_space<vmem>>, vector<65536xf32>,
    return
  }
}

</mosaic_0001>

<sc_bundles>
// kernel: kernel.4.cloned.1.call-start
scs
__scs_entry_jumppad:
0x0: {  	(pc) =	sbr.rel $0x88, $3  }
0x1: {  	(tag) =	ssettag $0x0;
	lr =	simm.s32 $0x1  }
0x2: {  	[smem:$0x3F9D] =	sst lr;
	_ =	strace $0xD0000000  }
0x3: {  	_ = 	snop  }
0x4: {  	_ = 	snop  }
0x5: {  	_ = 	snop  }
0x6: {  	_ = 	snop  }
0x7: {  	_ = 	snop  }
__scs_overlays_trampoline_lowered:
0x8: {  	[smem:$0x3FAC] =	sst s0  }
0x9: {  	[smem:$0x3FAD] =	sst s1  }
0xa: {  	[smem:$0x3FAE] =	sst s2  }
0xb: {  	[smem:$0x3FAF] =	sst s3  }
0xc: {  	[smem:$0x3FB0] =	sst s4  }
0xd: {  	[smem:$0x3FB1] =	sst s5  }
0xe: {  	[smem:$0x3FB2] =	sst s6  }
0xf: {  	[smem:$0x3FB3] =	sst s7  }
0x10: {  	[smem:$0x3FB4] =	sst s8  }
0x11: {  	[smem:$0x3FB5] =	sst s9;
	s0 =	simm.s32 @!p0 $0x0  }
0x12: {  	s1 =	sld [smem:$0x3F9B];
	s0 =	simm.s32 @p0 $0x1  }
0x13: {  	[smem:$0x3FB6] =	sst s0;
	s0 =	simm.s32 @!p1 $0x0  }
0x14: {  	s2 =	sld [smem:$0x3F9A];
	s0 =	simm.s32 @p1 $0x1  }
0x15: {  	[smem:$0x3FB7] =	sst s0;
	s0 =	simm.s32 @!p2 $0x0  }
0x16: {  	s3 =	sld [smem:$0x3FDB];
	s0 =	simm.s32 @p2 $0x1  }
0x17: {  	s4 =	simm.s32 $0x1BF5;
	[smem:$0x3FB9] =	sst s0  }
0x18: {  	s0 =	sld [smem:$0x3F9C];
	_ =	swait.ge [sflag:s4], $0x0  }
0x19: {  	s7 =	sld [smem:$0x3F9D]  }
0x1a: {  	s8 =	sadd.s32 $0xFFFFE003, lr  }
0x1b: {  	s9 =	sadd.s32 $0xFFFFFEF7, lr;
	s5 =	simm.s32 $0xFFFFFFFF;
	p2 =	slt.u32 s8, $0xFFFFF086  }
0x1c: {  	p1 =	slt.u32 s9, $0xF7A;
	s5 =	simm.s32 @!p2 $0x0  }
0x1d: {  	s5 =	simm.s32 @p1 $0x1;
	p0 =	seq.s32 s7, s2  }
0x1e: {  	s7 =	smul.u32 @!p0 $0xF7A, s2;
	p2 =	seq.s32 @!p0 s5, $0x0  }
0x1f: {  	s9 =	smul.u32 $0xF7A, s1;
	s8 =	simm.s32 @!p0 $0x1BF5;
	p2 =	por !p2, p0  }
0x20: {  	[sflag:s8] =	ssyncset.s32 @!p0 $0xFFFFF086;
	s6 =	sadd.s32 @!p0 s3, s7;
	s7 =	simm.s32 @!p0 $0x108  }
0x21: {  	s3 =	sadd.s32 s3, s9;
	s6 =	sadd.s32 @!p0 $0x88, s6;
	s7 =	simm.s32 @p2 $0x1082  }
0x22: {  	[simem:s7], [sflag:s8] =	dma.local @!p0 [hbm:s6], $0xF7A  }
0x23: {  	s9 =	sor.u32 $0xD0000000, s2;
	s6 =	simm.s32 $0x108;
	_ =	swait.ge @!p0 [sflag:s8], $0x0  }
0x24: {  	s3 =	sadd.s32 $0x88, s3;
	s6 =	simm.s32 @!p1 $0x1082;
	[sflag:s4] =	ssyncset.s32 $0xFFFFF086  }
0x25: {  	[simem:s6], [sflag:s4] =	dma.local [hbm:s3], $0xF7A  }
0x26: {  	[smem:$0x3F9D] =	sst s1;
	(tag) =	ssettag s2;
	_ =	strace s9  }
0x27: {  	s1 =	sld [smem:$0x3FAD]  }
0x28: {  	s2 =	sld [smem:$0x3FAE]  }
0x29: {  	s4 =	sld [smem:$0x3FB0]  }
0x2a: {  	p0 =	seq.s32 s5, $0x0;
	s5 =	sld [smem:$0x3FB1]  }
0x2b: {  	s6 =	sld [smem:$0x3FB2]  }
0x2c: {  	s7 =	sld [smem:$0x3FB3]  }
0x2d: {  	s3 =	simm.s32 $0x108;
	s8 =	sld [smem:$0x3FB4]  }
0x2e: {  	s3 =	simm.s32 @!p0 $0x1082;
	s9 =	sld [smem:$0x3FB5]  }
0x2f: {  	lr =	sadd.s32 s0, s3;
	s0 =	sld [smem:$0x3FAC]  }
0x30: {  	s3 =	sld [smem:$0x3FAF]  }
0x31: {  	[smem:$0x3FB8] =	sst s10  }
0x32: {  	s10 =	sld [smem:$0x3FB6];
	_ =	sdelay $0x3  }
0x33: {  	p0 =	seq.s32 s10, $0x1;
	s10 =	sld [smem:$0x3FB8];
	_ =	sdelay $0x3  }
0x34: {  	[smem:$0x3FB8] =	sst s10  }
0x35: {  	s10 =	sld [smem:$0x3FB7];
	_ =	sdelay $0x3  }
0x36: {  	p1 =	seq.s32 s10, $0x1;
	s10 =	sld [smem:$0x3FB8];
	_ =	sdelay $0x3  }
0x37: {  	[smem:$0x3FB8] =	sst s10  }
0x38: {  	s10 =	sld [smem:$0x3FB9]  }
0x39: {  	_ = 	snop;
	(pc) =	sbr.ind lr, $3  }
0x3a: {  	_ = 	snop  }
0x3b: {  	_ = 	snop  }
0x3c: {  	p2 =	seq.s32 s10, $0x1;
	s10 =	sld [smem:$0x3FB8]  }
0x3d: {  	_ =	shalt  }
0x3e: {  	_ =	shalt  }
0x3f: {  	_ =	shalt  }
0x40: {  	_ =	shalt  }
0x41: {  	_ =	shalt  }
0x42: {  	_ =	shalt  }
0x43: {  	_ =	shalt  }
0x44: {  	_ =	shalt  }
0x45: {  	_ =	shalt  }
0x46: {  	_ =	shalt  }
0x47: {  	_ =	shalt  }
0x48: {  	_ =	shalt  }
0x49: {  	_ =	shalt  }
0x4a: {  	_ =	shalt  }
0x4b: {  	_ =	shalt  }
0x4c: {  	_ =	shalt  }
0x4d: {  	_ =	shalt  }
0x4e: {  	_ =	shalt  }
0x4f: {  	_ =	shalt  }
0x50: {  	_ =	shalt  }
0x51: {  	_ =	shalt  }
0x52: {  	_ =	shalt  }
0x53: {  	_ =	shalt  }
0x54: {  	_ =	shalt  }
0x55: {  	_ =	shalt  }
0x56: {  	_ =	shalt  }
0x57: {  	_ =	shalt  }
0x58: {  	_ =	shalt  }
0x59: {  	_ =	shalt  }
0x5a: {  	_ =	shalt  }
0x5b: {  	_ =	shalt  }
0x5c: {  	_ =	shalt  }
0x5d: {  	_ =	shalt  }
0x5e: {  	_ =	shalt  }
0x5f: {  	_ =	shalt  }
0x60: {  	_ =	shalt  }
0x61: {  	_ =	shalt  }
0x62: {  	_ =	shalt  }
0x63: {  	_ =	shalt  }
0x64: {  	_ =	shalt  }
0x65: {  	_ =	shalt  }
0x66: {  	_ =	shalt  }
0x67: {  	_ =	shalt  }
0x68: {  	_ =	shalt  }
0x69: {  	_ =	shalt  }
0x6a: {  	_ =	shalt  }
0x6b: {  	_ =	shalt  }
0x6c: {  	_ =	shalt  }
0x6d: {  	_ =	shalt  }
0x6e: {  	_ =	shalt  }
0x6f: {  	_ =	shalt  }
0x70: {  	_ =	shalt  }
0x71: {  	_ =	shalt  }
0x72: {  	_ =	shalt  }
0x73: {  	_ =	shalt  }
0x74: {  	_ =	shalt  }
0x75: {  	_ =	shalt  }
0x76: {  	_ =	shalt  }
0x77: {  	_ =	shalt  }
0x78: {  	_ =	shalt  }
0x79: {  	_ =	shalt  }
0x7a: {  	_ =	shalt  }
0x7b: {  	_ =	shalt  }
0x7c: {  	_ =	shalt  }
0x7d: {  	_ =	shalt  }
0x7e: {  	_ =	shalt  }
0x7f: {  	_ =	shalt  }
0x80: {  	_ =	shalt  }
0x81: {  	_ =	shalt  }
0x82: {  	_ =	shalt  }
0x83: {  	_ =	shalt  }
0x84: {  	_ =	shalt  }
0x85: {  	_ =	shalt  }
0x86: {  	_ =	shalt  }
0x87: {  	_ =	shalt  }
.Lfunc_end0:
.L_simem_size_0:
called_computation_lowered:
.L_overlay_start_0:
0x88: {  	s2 =	sld [smem:$0x3FD9]  }
0x89: {  	s3 =	sld [smem:$0x3FFE];
	_ =	sdelay $0x1  }
0x8a: {  	s1 =	srdreg.scid  }
0x8b: {  	s0 =	sand.u32 $0x1, s1  }
0x8c: {  	s17 =	sshll.u32 s0, $0xA;
	s2 =	sadd.s32 s3, s2  }
0x8d: {  	s2 =	sadd.s32 s2, s17  }
0x8e: {  	[smem:$0x3FC4] =	sst s2  }
0x8f: {  	_ = 	snop  }
0x90: {  	s2 =	sld [smem:$0x3FC8]  }
0x91: {  	s18 =	sld [smem:$0x3FC7]  }
0x92: {  	s4 =	sld [smem:$0x3FC6]  }
0x93: {  	s5 =	sld [smem:$0x3FD0];
	(tm) =	ssettm $0x1  }
0x94: {  	s6 =	sld [smem:$0x3FFB];
	_ =	sdelay $0x3  }
0x95: {  	_ =	strace s6  }
0x96: {  	s6 =	sld [smem:$0x3FFC];
	_ =	sdelay $0x3  }
0x97: {  	_ =	strace s6  }
0x98: {  	s6 =	sld [smem:$0x3FFD];
	_ =	sdelay $0x3  }
0x99: {  	_ =	strace s6  }
0x9a: {  	_ =	strace $0x8FFFFFFF  }
0x9b: {  	s19 =	sld [smem:$0x3FDB];
	_ =	sdelay $0x1  }
0x9c: {  	s7 =	simm.s32 $_scs_section_size  }
0x9d: {  	s8 =	simm.s32 $_size__tile_overlayer_lowered;
	s9 =	simm.s32 $_tile_overlayer_lowered  }
0x9e: {  	s22 =	simm.s32 $0x1BFF;
	s21 =	sshll.u32 s9, $0x1;
	s6 =	sadd.s32 s7, s19  }
0x9f: {  	s10 =	simm.s32 $0x0;
	s20 =	sshll.u32 s8, $0x1;
	s8 =	sadd.s32 s21, s6  }
0xa0: {  	[timem:s10], [sflag:s22] =	dma.local [hbm:s8], s20  }
0xa1: {  	_ =	swait.ge [sflag:s22], s20  }
0xa2: {  	s7 =	ssub.s32 $0x0, s20;
	[sflag:s22] =	ssyncset.done $0x0  }
0xa3: {  	[sflag:s22] =	ssyncadd.s32 s7;
	_ =	sdelay $0x1  }
0xa4: {  	s23 =	simm.s32 $0x1B8B  }
0xa5: {  	_ =	swait.ge [sflag:s23], $0x1  }
0xa6: {  	[sflag:s23] =	ssyncset.done $0x0  }
0xa7: {  	s25 =	simm.s32 $0x1B8E;
	s24 =	sld [smem:$0x3FFE];
	[sflag:s23] =	ssyncadd.s32 $0xFFFFFFFF  }
0xa8: {  	s26 =	simm.s32 $execute0_lowered;
	[smem:$0x3FD2] =	sst s25  }
0xa9: {  	s8 =	sshll.u32 s26, $0x1;
	_ =	strace $0x80000046;
	[dreg:$0x1] =	wrdreg $0xFFFFFFFF  }
0xaa: {  	s28 =	simm.s32 $_size_execute0_lowered;
	s6 =	sadd.s32 s6, s8;
	[dreg:$0x0] =	wrdreg $0x0  }
0xab: {  	s8 =	sshll.u32 s28, $0x1;
	[dreg:$0x2] =	wrdreg s6  }
0xac: {  	[dreg:$0x3] =	wrdreg s8  }
0xad: {  	[dreg:$0x4] =	wrdreg $0xC0  }
0xae: {  	_ =	task [dreg:s10], $0x5FFFF  }
0xaf: {  	[dreg:$0x1] =	wrdreg $0xFFFFFFFF  }
0xb0: {  	[dreg:$0x0] =	wrdreg $0x60  }
0xb1: {  	[dreg:$0x2] =	wrdreg s5  }
0xb2: {  	[dreg:$0x3] =	wrdreg s2  }
0xb3: {  	[dreg:$0x4] =	wrdreg s18  }
0xb4: {  	[dreg:$0x5] =	wrdreg s4  }
0xb5: {  	[dreg:$0x6] =	wrdreg s24  }
0xb6: {  	[dreg:$0x7] =	wrdreg $0x9  }
0xb7: {  	_ =	task.clear_ibuf [dreg:s10], $0x8FFFF;
	_ =	strace $0x90000046  }
0xb8: {  	s29 =	simm.s32 $0x9;
	_ =	strace $0x80000048  }
0xb9: {  	_ =	swait.ge [sflag:s29], $0x1  }
0xba: {  	[sflag:s29] =	ssyncadd.s32 $0xFFFFFFFF  }
0xbb: {  	_ =	strace $0x90000048  }
0xbc: {  	_ =	sfence  }
0xbd: {  	s30 =	sld [smem:$0x0];
	_ =	sdelay $0x2  }
0xbe: {  	s31 =	sshll.u32 s1, $0xD;
	s1 =	sshrl.u32 s1, $0x2  }
0xbf: {  	s3 =	sand.u32 $0x4000, s31;
	s1 =	sadd.s32 s1, s30  }
0xc0: {  	s0 =	sor.u32 s3, s0;
	s1 =	sshll.u32 s1, $0x11  }
0xc1: {  	s0 =	sor.u32 s1, s0  }
0xc2: {  	s0 =	sadd.s32 $0x8F2B, s0  }
0xc3: {  	[sflag:s0] =	ssyncadd.remote.s32 $0x1  }
0xc4: {  	_ =	sfence.sel $0xFFFF  }
0xc5: {  	[dreg:$0x0] =	wrdreg $0xFFFFFFFF;
	(pc) =	sbr.abs _section_cstart, $3  }
0xc6: {  	[dreg:$0x1] =	wrdreg $0xFFFFFFFF  }
0xc7: {  	_ =	task.clear_ibuf [dreg:s10], $0x2FFFF;
	_ =	strace $0x9FFFFFFF  }
0xc8: {  	(tm) =	ssettm $0x7FFFFFFF  }
0xc9: {  	_ =	shalt  }
tec
execute0_lowered:
.L_overlay_start_1:
0x0: {  	(tag) =	ssettag $0x1  }
0x1: {  	s2 =	rddreg [dreg:$0x1]  }
0x2: {  	s3 =	rddreg [dreg:$0x2]  }
0x3: {  	s5 =	rddreg [dreg:$0x3]  }
0x4: {  	s0 =	rddreg [dreg:$0x4]  }
0x5: {  	s1 =	srdreg.scid;
	s13 =	stileid.u32  }
0x6: {  	s6 =	simm.s32 $0x0;
	s1 =	sand.u32 $0x1, s1;
	s4 =	sshll.u32 s13, $0x1  }
0x7: {  	[smem:$0x7FF] =	sst s6;
	s12 =	sadd.s32 $0xC00, s0;
	s23 =	sshll.u32 s13, $0x10  }
0x8: {  	s24 =	sshll.u32 s13, $0x7;
	s7 =	sor.u32 s1, s4;
	_ =	strace $0x80000047  }
0x9: {  	s9 =	sshll.u32 s1, $0x4;
	s10 =	ssub.s32 $0x2, s1;
	s8 =	smul.u32 $0x180, s7  }
0xa: {  	s11 =	smul.u32 $0xC00, s7;
	s0 =	sadd.s32 s9, s0;
	s28 =	sshrl.u32 s10, $0x1  }
0xb: {  	s9 =	ssub.s32 s10, s28;
	s28 =	sshll.u32 s13, $0xA;
	s14 =	sadd.s32 s2, s8  }
0xc: {  	s15 =	sshrl.u32 s11, $0x3;
	s16 =	sadd.s32 s3, s8;
	[dreg:$0x6] =	wrdreg s14  }
0xd: {  	s8 =	sadd.s32 s5, s8;
	s0 =	sadd.s32 s28, s0;
	[dreg:$0x7] =	wrdreg s16  }
0xe: {  	[dreg:$0x8] =	wrdreg s8;
	s17 =	sadd.s32 $0x3000, s15;
	s0 =	sadd.s32 $0x40C00, s0  }
0xf: {  	s25 =	sshll.u32 s13, $0xF;
	s18 =	sadd.s32 s2, s17;
	[dreg:$0x11] =	wrdreg s0  }
0x10: {  	s1 =	sshll.u32 s1, $0x14;
	s19 =	sadd.s32 s3, s17;
	[dreg:$0x9] =	wrdreg s18  }
0x11: {  	s10 =	sadd.s32 $0x6000, s15;
	s8 =	sadd.s32 s5, s17;
	[dreg:$0xa] =	wrdreg s19  }
0x12: {  	p0 =	seq.s32 s7, $0x1E;
	s20 =	sadd.s32 s2, s10;
	[dreg:$0xb] =	wrdreg s8  }
0x13: {  	p1 =	sne.s32 s7, $0x1F;
	s21 =	sadd.s32 s3, s10;
	[dreg:$0xc] =	wrdreg s20  }
0x14: {  	s16 =	sor.u32 $0x60, s7;
	s22 =	sadd.s32 s5, s10;
	[dreg:$0xd] =	wrdreg s21  }
0x15: {  	s17 =	ssub.s32 $0x556, s4;
	[dreg:$0xe] =	wrdreg s22;
	s8 =	sor.u32 s23, s24  }
0x16: {  	s18 =	sor.u32 $0x80, s7;
	s22 =	sor.u32 $0xA0, s7;
	s7 =	smax.u32 s9, $0x1  }
0x17: {  	s9 =	sadd.s32 $0x83100, s5;
	s8 =	sand.u32 $0x80380, s8;
	[dreg:$0x12] =	wrdreg s7  }
0x18: {  	s19 =	ssub.s32 $0x536, s4;
	[dreg:$0x14] =	wrdreg s9;
	s8 =	sor.u32 s1, s8  }
0x19: {  	s1 =	sor.u32 s25, s1;
	s26 =	sshrl.u32 s8, $0x3;
	s8 =	sadd.s32 $0x83100, s3  }
0x1a: {  	s1 =	sshrl.u32 s1, $0x3;
	s4 =	sadd.s32 s12, s26;
	[dreg:$0x13] =	wrdreg s8  }
0x1b: {  	s21 =	sadd.s32 s12, s1;
	[dreg:$0xf] =	wrdreg s4;
	s4 =	sadd.s32 $0x83100, s2  }
0x1c: {  	s10 =	sadd.s32 $0x10, s21;
	[dreg:$0x10] =	wrdreg s4  }
0x1d: {  	s11 =	sadd.s32 $0x20, s21;
	[dreg:$0x15] =	wrdreg s10  }
0x1e: {  	s12 =	sadd.s32 $0x30, s21;
	[dreg:$0x16] =	wrdreg s11  }
0x1f: {  	s13 =	sadd.s32 $0x40, s21;
	[dreg:$0x17] =	wrdreg s12  }
0x20: {  	s14 =	sadd.s32 $0x50, s21;
	[dreg:$0x18] =	wrdreg s13  }
0x21: {  	s15 =	sadd.s32 $0x60, s21;
	[dreg:$0x19] =	wrdreg s14  }
0x22: {  	s20 =	sadd.s32 $0x70, s21;
	[dreg:$0x1a] =	wrdreg s15  }
0x23: {  	v0 =	vimm.s32 $0x418936;
	vm0 =	vcmask $0x300;
	s23 =	sadd.s32 $0x10000, s21;
	[dreg:$0x1b] =	wrdreg s20  }
0x24: {  	v0 =	vsel vm0, $0x418930, v0;
	vm0 =	vcmask $0x704;
	s24 =	sadd.s32 $0x10010, s21;
	[dreg:$0x1c] =	wrdreg s23  }
0x25: {  	s29 =	simm.s32 $0x3;
	v0 =	vsel vm0, $0x418931, v0;
	vm0 =	vcmask $0xB08;
	s25 =	sadd.s32 $0x10020, s21;
	[dreg:$0x1d] =	wrdreg s24  }
0x26: {  	s30 =	simm.s32 $0x4;
	v0 =	vsel vm0, $0x418932, v0;
	vm0 =	vcmask $0xF0C;
	s26 =	sadd.s32 $0x10030, s21;
	[dreg:$0x1e] =	wrdreg s25  }
0x27: {  	s31 =	simm.s32 $0x80;
	v0 =	vsel vm0, $0x418933, v0;
	s28 =	sadd.s32 $0x10040, s21;
	[dreg:$0x1f] =	wrdreg s26  }
0x28: {  	vm0 =	vcmask $0x1310;
	s0 =	simm.s32 $0x400;
	[smem:$0x7FD] =	sst s28;
	s10 =	sadd.s32 $0x10050, s21  }
0x29: {  	v1 =	vsel vm0, $0x418934, v0;
	s11 =	sadd.s32 $0x10060, s21;
	s12 =	sadd.s32 $0x10070, s21;
	s13 =	simm.s32 $0x1  }
0x2a: {  	vm0 =	vcmask $0x1714;
	s14 =	simm.s32 $0x1D800;
	s15 =	simm.s32 $0x1E400;
	s20 =	simm.s32 $0x1F000  }
0x2b: {  	v0 =	vimm.f32 $0.0e+00;
	v1 =	vsel vm0, $0x418935, v1;
	vm0 =	vmmov $0x7f;
	s24 =	simm.s32 $0x8000;
	s25 =	simm.s32 $0x2;
	s4 =	simm.s32 $0x0  }
.LBB2_1:
0x2c: {  	s1 =	rddreg [dreg:$0x0]  }
0x2d: {  	[tilespmem:s6], [sflag:$0x1] =	stream.linear.gather [hbm4b:s1+s6], $0x8000, $0x38;
	[tilespmem:$0x1FE00] =	vst v63  }
0x2e: {  	s7 =	simm.s32 $0x100;
	s1 =	simm.s32 $0x0  }
.LBB2_2:
0x2f: {  	p2 =	sne.s32 s7, $0x3FF00;
	[tilespmem:s1+$0x8030] =	vst v0;
	s8 =	smov.u32 s7;
	s7 =	sadd.s32 $0x100, s7  }
.Ltmp0:
0x30: {  	[tilespmem:s1+$0x8020] =	vst v0;
	(pc) =	sbr.rel @p2 .LBB2_2-.Ltmp0, $3  }
0x31: {  	[tilespmem:s1+$0x8000] =	vst v0  }
0x32: {  	[tilespmem:s1+$0x8010] =	vst v0;
	_ =	sdelay $0x1  }
0x33: {  	s1 =	sshra.s32 s8, $0x2  }
0x34: {  	[tilespmem:s1+$0x8030] =	vst v0  }
0x35: {  	[tilespmem:s1+$0x8020] =	vst v0  }
0x36: {  	[tilespmem:s1+$0x8000] =	vst v0  }
0x37: {  	[tilespmem:s1+$0x8010] =	vst v0  }
0x38: {  	_ =	swait.ge [sflag:s13], $0x8000  }
0x39: {  	s23 =	simm.s32 $0x0;
	[sflag:s13] =	ssyncset.done $0x0  }
0x3a: {  	s7 =	simm.s32 $0x19000;
	s28 =	rddreg [dreg:$0x6];
	[sflag:s13] =	ssyncadd.s32 $0xFFFF8000  }
0x3b: {  	[tilespmem:s7], [sflag:$0x1] =	stream.linear.gather [hbm4b:s28+s23], $0xC00, $0x38;
	[tilespmem:$0x1FE00] =	vst v63  }
0x3c: {  	s9 =	simm.s32 $0x19C00;
	s8 =	rddreg [dreg:$0x7]  }
0x3d: {  	[tilespmem:s9], [sflag:$0x1] =	stream.linear.gather [hbm4b:s8+s23], $0xC00, $0x38;
	[tilespmem:$0x1FE00] =	vst v63  }
0x3e: {  	s26 =	rddreg [dreg:$0x8];
	s28 =	simm.s32 $0x1A800  }
0x3f: {  	[tilespmem:s28], [sflag:$0x1] =	stream.linear.gather [hbm4b:s26+s23], $0xC00, $0x38;
	[tilespmem:$0x1FE00] =	vst v63  }
0x40: {  	s8 =	rddreg [dreg:$0x9];
	s9 =	simm.s32 $0x1B400  }
0x41: {  	[tilespmem:s9], [sflag:$0x2] =	stream.linear.gather [hbm4b:s8+s23], $0xC00, $0x38;
	[tilespmem:$0x1FE00] =	vst v63  }
0x42: {  	s26 =	rddreg [dreg:$0xa];
	s28 =	simm.s32 $0x1C000  }
0x43: {  	[tilespmem:s28], [sflag:$0x2] =	stream.linear.gather [hbm4b:s26+s23], $0xC00, $0x38;
	[tilespmem:$0x1FE00] =	vst v63  }
0x44: {  	s7 =	rddreg [dreg:$0xb];
	s8 =	simm.s32 $0x1CC00  }
0x45: {  	[tilespmem:s8], [sflag:$0x2] =	stream.linear.gather [hbm4b:s7+s23], $0xC00, $0x38;
	[tilespmem:$0x1FE00] =	vst v63  }
0x46: {  	s9 =	rddreg [dreg:$0xc]  }
0x47: {  	[tilespmem:s14], [sflag:$0x3] =	stream.linear.gather [hbm4b:s9+s23], $0xC00, $0x38;
	[tilespmem:$0x1FE00] =	vst v63  }
0x48: {  	s26 =	rddreg [dreg:$0xd]  }
0x49: {  	[tilespmem:s15], [sflag:$0x3] =	stream.linear.gather [hbm4b:s26+s23], $0xC00, $0x38;
	[tilespmem:$0x1FE00] =	vst v63  }
0x4a: {  	s28 =	rddreg [dreg:$0xe]  }
0x4b: {  	[tilespmem:s20], [sflag:$0x3] =	stream.linear.gather [hbm4b:s28+s23], $0xC00, $0x38;
	[tilespmem:$0x1FE00] =	vst v63  }
.LBB2_4:
0x4c: {  	_ =	swait.ge [sflag:s13], $0xC00  }
0x4d: {  	[sflag:s13] =	ssyncset.done $0x0  }
0x4e: {  	[sflag:s13] =	ssyncadd.s32 $0xFFFFF400  }
0x4f: {  	_ =	swait.ge [sflag:s13], $0xC00  }
0x50: {  	[sflag:s13] =	ssyncset.done $0x0  }
0x51: {  	[sflag:s13] =	ssyncadd.s32 $0xFFFFF400  }
0x52: {  	_ =	swait.ge [sflag:s13], $0xC00  }
0x53: {  	[sflag:s13] =	ssyncset.done $0x0  }
0x54: {  	s1 =	simm.s32 $0x19C40;
	[sflag:s13] =	ssyncadd.s32 $0xFFFFF400  }
0x55: {  	v2 =	vld [tilespmem:s1+$0x30]  }
0x56: {  	v3 =	vld [tilespmem:s1+$0xFFFFFFD0]  }
0x57: {  	v4 =	vld [tilespmem:s1+$0xFFFFFFE0]  }
0x58: {  	v5 =	vld [tilespmem:s1+$0xFFFFFFF0]  }
0x59: {  	v7 =	vld [tilespmem:s1+$0x0]  }
0x5a: {  	v9 =	vld [tilespmem:s1+$0xFFFFFFC0]  }
0x5b: {  	v10 =	vld [tilespmem:s1+$0x10]  }
0x5c: {  	s28 =	simm.s32 $0x19040;
	v11 =	vld [tilespmem:s1+$0x20];
	v6 =	vand.u32 $0x7FFF, v2  }
0x5d: {  	v16 =	vld [tilespmem:s28+$0x30]  }
0x5e: {  	v52 =	vld [tilespmem:s28+$0xFFFFFFC0]  }
0x5f: {  	s1 =	simm.s32 $0x1A840;
	v20 =	vld [tilespmem:s28+$0xFFFFFFE0]  }
0x60: {  	v18 =	vld [tilespmem:s1+$0x30]  }
0x61: {  	v8 =	vand.u32 $0x7FFF, v3;
	v6 =	vld.idx.msk [tilespmem:v6+s6+$0x0], $0xffff  }
0x62: {  	v51 =	vld [tilespmem:s1+$0xFFFFFFD0];
	v15 =	vand.u32 $0x7FFF, v9  }
0x63: {  	v53 =	vld [tilespmem:s1+$0xFFFFFFE0]  }
0x64: {  	v55 =	vld [tilespmem:s1+$0x0];
	v13 =	vand.u32 $0x7FFF, v5  }
0x65: {  	v56 =	vld [tilespmem:s1+$0x10];
	v2 =	vand.u32 $0xFFFF8000, v2  }
0x66: {  	vm1 =	veq.s32 v2, $0x8000;
	v8 =	vld.idx.msk [tilespmem:v8+s6+$0x0], $0xffff;
	v2 =	vand.u32 $0xFFFF0000, v6;
	v6 =	vshll.u32 v6, $0x10  }
0x67: {  	v15 =	vld.idx.msk [tilespmem:v15+s6+$0x0], $0xffff;
	v2 =	vsel vm1, v2, v6  }
0x68: {  	v60 =	vld [tilespmem:s1+$0x20];
	v12 =	vand.u32 $0x7FFF, v4;
	v2 =	vmul.f32 v2, v18  }
0x69: {  	v19 =	vand.u32 $0x7FFF, v11;
	v13 =	vld.idx.msk [tilespmem:v13+s6+$0x0], $0xffff  }
0x6a: {  	v17 =	vand.u32 $0x7FFF, v10;
	v4 =	vand.u32 $0xFFFF8000, v4;
	[tilespmem:v16+s24+$0x0] =	vst.idx.add.f32.msk $0xffff, v2  }
0x6b: {  	v14 =	vand.u32 $0x7FFF, v7;
	v3 =	vand.u32 $0xFFFF8000, v3;
	vm2 =	veq.s32 v4, $0x8000;
	v2 =	vld [tilespmem:s1+$0xFFFFFFC0]  }
0x6c: {  	v4 =	vld [tilespmem:s28+$0xFFFFFFD0];
	v54 =	vshll.u32 v15, $0x10;
	v57 =	vand.u32 $0xFFFF0000, v8;
	v8 =	vshll.u32 v8, $0x10  }
0x6d: {  	v12 =	vld.idx.msk [tilespmem:v12+s6+$0x0], $0xffff;
	vm1 =	veq.s32 v3, $0x8000;
	v3 =	vand.u32 $0xFFFF8000, v5;
	v5 =	vand.u32 $0xFFFF8000, v9  }
0x6e: {  	v50 =	vld.idx.msk [tilespmem:v19+s6+$0x0], $0xffff;
	v58 =	vand.u32 $0xFFFF0000, v13;
	vm4 =	veq.s32 v5, $0x8000;
	v5 =	vand.u32 $0xFFFF0000, v15  }
0x6f: {  	v6 =	vld.idx.msk [tilespmem:v17+s6+$0x0], $0xffff;
	vm3 =	veq.s32 v3, $0x8000;
	v3 =	vand.u32 $0xFFFF8000, v7;
	v5 =	vsel vm4, v5, v54  }
0x70: {  	v14 =	vld.idx.msk [tilespmem:v14+s6+$0x0], $0xffff;
	vm5 =	veq.s32 v3, $0x8000;
	v3 =	vand.u32 $0xFFFF8000, v10;
	v2 =	vmul.f32 v5, v2  }
0x71: {  	v5 =	vsel vm1, v57, v8;
	vm1 =	veq.s32 v3, $0x8000;
	v3 =	vand.u32 $0xFFFF8000, v11;
	v8 =	vld [tilespmem:s28+$0xFFFFFFF0]  }
0x72: {  	v59 =	vshll.u32 v13, $0x10;
	v7 =	vld [tilespmem:s1+$0xFFFFFFF0];
	vm15 =	veq.s32 v3, $0x8000;
	v3 =	vmul.f32 v5, v51  }
0x73: {  	v63 =	vshll.u32 v50, $0x10;
	v10 =	vsel vm3, v58, v59;
	[tilespmem:v52+s24+$0x0] =	vst.idx.add.f32.msk $0xffff, v2  }
0x74: {  	v61 =	vand.u32 $0xFFFF0000, v6;
	v5 =	vand.u32 $0xFFFF0000, v12;
	v2 =	vshll.u32 v12, $0x10;
	[tilespmem:v4+s24+$0x0] =	vst.idx.add.f32.msk $0xffff, v3  }
0x75: {  	v2 =	vsel vm2, v5, v2;
	v5 =	vand.u32 $0xFFFF0000, v14;
	v3 =	vshll.u32 v14, $0x10;
	v4 =	vld [tilespmem:s28+$0x0]  }
0x76: {  	v6 =	vshll.u32 v6, $0x10;
	v62 =	vsel vm5, v5, v3;
	v2 =	vmul.f32 v2, v53;
	v5 =	vld [tilespmem:s28+$0x10]  }
0x77: {  	v10 =	vmul.f32 v10, v7;
	v11 =	vsel vm1, v61, v6;
	v6 =	vand.u32 $0xFFFF0000, v50;
	v3 =	vld [tilespmem:s28+$0x20]  }
0x78: {  	v7 =	vmul.f32 v11, v56;
	v14 =	vsel vm15, v6, v63;
	[tilespmem:v20+s24+$0x0] =	vst.idx.add.f32.msk $0xffff, v2  }
0x79: {  	s26 =	smul.u32 $0x60, s23;
	s7 =	simm.s32 $0x0;
	s8 =	simm.s32 $0x19CC0;
	v6 =	vmul.f32 v62, v55;
	v2 =	vmul.f32 v14, v60;
	[tilespmem:v8+s24+$0x0] =	vst.idx.add.f32.msk $0xffff, v10  }
.LBB2_5:
0x7a: {  	v8 =	vld [tilespmem:s8+$0x30];
	s7 =	sadd.s32 $0x80, s7  }
0x7b: {  	v9 =	vld [tilespmem:s8+$0xFFFFFFD0];
	p2 =	slt.u32 s7, $0xB80  }
0x7c: {  	v10 =	vld [tilespmem:s8+$0xFFFFFFE0]  }
0x7d: {  	v11 =	vld [tilespmem:s8+$0xFFFFFFF0]  }
0x7e: {  	v12 =	vld [tilespmem:s8+$0x0]  }
0x7f: {  	v13 =	vld [tilespmem:s8+$0x10];
	v14 =	vand.u32 $0x7FFF, v8  }
0x80: {  	v15 =	vand.u32 $0x7FFF, v9;
	v9 =	vand.u32 $0xFFFF8000, v9;
	v16 =	vld [tilespmem:s8+$0x20]  }
0x81: {  	v17 =	vld [tilespmem:s8+$0xFFFFFFC0];
	vm6 =	veq.s32 v9, $0x8000;
	v9 =	vand.u32 $0x7FFF, v10;
	v10 =	vand.u32 $0xFFFF8000, v10  }
0x82: {  	vm4 =	veq.s32 v10, $0x8000;
	v10 =	vand.u32 $0x7FFF, v11;
	v11 =	vand.u32 $0xFFFF8000, v11;
	[tilespmem:v4+s24+$0x0] =	vst.idx.add.f32.msk $0xffff, v6  }
0x83: {  	vm5 =	veq.s32 v11, $0x8000;
	v4 =	vand.u32 $0x7FFF, v12;
	v6 =	vand.u32 $0xFFFF8000, v12;
	[tilespmem:v5+s24+$0x0] =	vst.idx.add.f32.msk $0xffff, v7  }
0x84: {  	vm3 =	veq.s32 v6, $0x8000;
	v5 =	vand.u32 $0x7FFF, v13;
	v6 =	vand.u32 $0xFFFF8000, v13;
	v7 =	vld.idx.msk [tilespmem:v14+s6+$0x0], $0xffff  }
0x85: {  	s28 =	sadd.s32 $0x80, s28;
	v11 =	vld.idx.msk [tilespmem:v15+s6+$0x0], $0xffff;
	vm1 =	veq.s32 v6, $0x8000;
	v6 =	vand.u32 $0x7FFF, v16;
	v12 =	vand.u32 $0xFFFF8000, v16  }
0x86: {  	s1 =	sadd.s32 $0x80, s1;
	v13 =	vand.u32 $0x7FFF, v17;
	v14 =	vand.u32 $0xFFFF8000, v17;
	vm2 =	veq.s32 v12, $0x8000;
	v12 =	vld [tilespmem:s28+$0x30]  }
0x87: {  	vm7 =	veq.s32 v14, $0x8000;
	v14 =	vld [tilespmem:s1+$0x30]  }
0x88: {  	v9 =	vld.idx.msk [tilespmem:v9+s6+$0x0], $0xffff  }
0x89: {  	v8 =	vand.u32 $0xFFFF8000, v8;
	v10 =	vld.idx.msk [tilespmem:v10+s6+$0x0], $0xffff  }
0x8a: {  	vm8 =	veq.s32 v8, $0x8000;
	v15 =	vand.u32 $0xFFFF0000, v7;
	v7 =	vshll.u32 v7, $0x10;
	v4 =	vld.idx.msk [tilespmem:v4+s6+$0x0], $0xffff  }
0x8b: {  	v7 =	vsel vm8, v15, v7;
	v8 =	vld.idx.msk [tilespmem:v13+s6+$0x0], $0xffff;
	v13 =	vand.u32 $0xFFFF0000, v11;
	v11 =	vshll.u32 v11, $0x10  }
0x8c: {  	v11 =	vsel vm6, v13, v11;
	v5 =	vld.idx.msk [tilespmem:v5+s6+$0x0], $0xffff;
	v7 =	vmul.f32 v7, v14  }
0x8d: {  	v6 =	vld.idx.msk [tilespmem:v6+s6+$0x0], $0xffff  }
0x8e: {  	v13 =	vand.u32 $0xFFFF0000, v9;
	v9 =	vshll.u32 v9, $0x10;
	[tilespmem:v12+s24+$0x0] =	vst.idx.add.f32.msk $0xffff, v7  }
0x8f: {  	v9 =	vsel vm4, v13, v9;
	v12 =	vand.u32 $0xFFFF0000, v10;
	v10 =	vshll.u32 v10, $0x10;
	v7 =	vld [tilespmem:s1+$0xFFFFFFC0]  }
0x90: {  	v10 =	vsel vm5, v12, v10;
	v12 =	vand.u32 $0xFFFF0000, v4;
	v4 =	vshll.u32 v4, $0x10;
	v13 =	vld [tilespmem:s1+$0xFFFFFFD0]  }
0x91: {  	v14 =	vand.u32 $0xFFFF0000, v8;
	v8 =	vshll.u32 v8, $0x10;
	v4 =	vsel vm3, v12, v4;
	v15 =	vld [tilespmem:s1+$0xFFFFFFE0]  }
0x92: {  	v8 =	vsel vm7, v14, v8;
	v14 =	vand.u32 $0xFFFF0000, v5;
	v5 =	vshll.u32 v5, $0x10;
	v12 =	vld [tilespmem:s1+$0xFFFFFFF0]  }
0x93: {  	v5 =	vsel vm1, v14, v5;
	v14 =	vand.u32 $0xFFFF0000, v6;
	v6 =	vshll.u32 v6, $0x10;
	v16 =	vld [tilespmem:s1+$0x0]  }
0x94: {  	v14 =	vsel vm2, v14, v6;
	v8 =	vmul.f32 v8, v7;
	v7 =	vld [tilespmem:s1+$0x10]  }
0x95: {  	v11 =	vmul.f32 v11, v13;
	v13 =	vld [tilespmem:s1+$0x20]  }
0x96: {  	v17 =	vld [tilespmem:s28+$0xFFFFFFC0];
	v9 =	vmul.f32 v9, v15  }
0x97: {  	v15 =	vld [tilespmem:s28+$0xFFFFFFD0];
	v10 =	vmul.f32 v10, v12  }
0x98: {  	v12 =	vld [tilespmem:s28+$0xFFFFFFE0];
	v6 =	vmul.f32 v4, v16  }
0x99: {  	v16 =	vld [tilespmem:s28+$0xFFFFFFF0];
	v7 =	vmul.f32 v5, v7  }
0x9a: {  	v4 =	vld [tilespmem:s28+$0x0];
	v13 =	vmul.f32 v14, v13  }
0x9b: {  	v5 =	vld [tilespmem:s28+$0x10]  }
0x9c: {  	v14 =	vld [tilespmem:s28+$0x20]  }
.Ltmp1:
0x9d: {  	[tilespmem:v3+s24+$0x0] =	vst.idx.add.f32.msk $0xffff, v2;
	v2 =	vmov v13;
	(pc) =	sbr.rel @p2 .LBB2_5-.Ltmp1, $4  }
0x9e: {  	[tilespmem:v17+s24+$0x0] =	vst.idx.add.f32.msk $0xffff, v8  }
0x9f: {  	[tilespmem:v15+s24+$0x0] =	vst.idx.add.f32.msk $0xffff, v11  }
0xa0: {  	[tilespmem:v12+s24+$0x0] =	vst.idx.add.f32.msk $0xffff, v9  }
0xa1: {  	s8 =	sadd.s32 $0x80, s8;
	[tilespmem:v16+s24+$0x0] =	vst.idx.add.f32.msk $0xffff, v10;
	v3 =	vmov v14  }
0xa2: {  	p2 =	seq.s32 s23, $0xE  }
0xa3: {  	s1 =	sadd.s32 @!p2 s16, s26  }
0xa4: {  	p3 =	slt.s32 @!p2 s1, $0x575  }
0xa5: {  	p3 =	por !p3, p2  }
0xa6: {  	s1 =	simm.s32 @p3 $0x575  }
0xa7: {  	[tilespmem:v4+s24+$0x0] =	vst.idx.add.f32.msk $0xffff, v6;
	s1 =	smul.u32 @!p2 $0x180, s1  }
0xa8: {  	[tilespmem:v5+s24+$0x0] =	vst.idx.add.f32.msk $0xffff, v7  }
0xa9: {  	[tilespmem:v3+s24+$0x0] =	vst.idx.add.f32.msk $0xffff, v2;
	s28 =	simm.s32 @!p2 $0x0;
	s8 =	simm.s32 @!p2 $0x19000;
	s7 =	sadd.s32 @!p2 s2, s1  }
0xaa: {  	[tilespmem:s8], [sflag:$0x1] =	stream.linear.gather @!p2 [hbm4b:s7+s28], $0xC00, $0x38;
	[tilespmem:$0x1FE00] =	vst v63  }
0xab: {  	s7 =	sadd.s32 @!p2 s3, s1;
	s8 =	simm.s32 @!p2 $0x19C00  }
0xac: {  	[tilespmem:s8], [sflag:$0x1] =	stream.linear.gather @!p2 [hbm4b:s7+s28], $0xC00, $0x38;
	[tilespmem:$0x1FE00] =	vst v63  }
0xad: {  	s1 =	sadd.s32 @!p2 s5, s1;
	s7 =	simm.s32 @!p2 $0x1A800  }
0xae: {  	[tilespmem:s7], [sflag:$0x1] =	stream.linear.gather @!p2 [hbm4b:s1+s28], $0xC00, $0x38;
	[tilespmem:$0x1FE00] =	vst v63  }
0xaf: {  	_ =	swait.ge [sflag:s25], $0xC00  }
0xb0: {  	[sflag:s25] =	ssyncset.done $0x0  }
0xb1: {  	[sflag:s25] =	ssyncadd.s32 $0xFFFFF400  }
0xb2: {  	p3 =	sge.u32 s26, s17;
	_ =	swait.ge [sflag:s25], $0xC00  }
.Ltmp2:
0xb3: {  	[sflag:s25] =	ssyncset.done $0x0;
	(pc) =	sbr.rel @p3 .LBB2_10-.Ltmp2, $4  }
0xb4: {  	[sflag:s25] =	ssyncadd.s32 $0xFFFFF400  }
0xb5: {  	_ =	swait.ge [sflag:s25], $0xC00  }
0xb6: {  	[sflag:s25] =	ssyncset.done $0x0  }
0xb7: {  	[sflag:s25] =	ssyncadd.s32 $0xFFFFF400  }
0xb8: {  	s1 =	simm.s32 $0x1C040  }
0xb9: {  	v2 =	vld [tilespmem:s1+$0x30]  }
0xba: {  	v3 =	vld [tilespmem:s1+$0xFFFFFFD0]  }
0xbb: {  	v4 =	vld [tilespmem:s1+$0xFFFFFFE0]  }
0xbc: {  	v5 =	vld [tilespmem:s1+$0xFFFFFFF0]  }
0xbd: {  	v7 =	vld [tilespmem:s1+$0x0]  }
0xbe: {  	v9 =	vld [tilespmem:s1+$0xFFFFFFC0]  }
0xbf: {  	v10 =	vld [tilespmem:s1+$0x10]  }
0xc0: {  	s7 =	simm.s32 $0x1CC40;
	v11 =	vld [tilespmem:s1+$0x20];
	v6 =	vand.u32 $0x7FFF, v2  }
0xc1: {  	v18 =	vld [tilespmem:s7+$0x30]  }
0xc2: {  	v51 =	vld [tilespmem:s7+$0xFFFFFFD0]  }
0xc3: {  	v53 =	vld [tilespmem:s7+$0xFFFFFFE0]  }
0xc4: {  	v55 =	vld [tilespmem:s7+$0x0]  }
0xc5: {  	s1 =	simm.s32 $0x1B440;
	v8 =	vand.u32 $0x7FFF, v3;
	v6 =	vld.idx.msk [tilespmem:v6+s6+$0x0], $0xffff  }
0xc6: {  	v16 =	vld [tilespmem:s1+$0x30];
	v15 =	vand.u32 $0x7FFF, v9  }
0xc7: {  	v56 =	vld [tilespmem:s7+$0x10]  }
0xc8: {  	v60 =	vld [tilespmem:s7+$0x20];
	v13 =	vand.u32 $0x7FFF, v5  }
0xc9: {  	v52 =	vld [tilespmem:s1+$0xFFFFFFC0];
	v2 =	vand.u32 $0xFFFF8000, v2  }
0xca: {  	vm1 =	veq.s32 v2, $0x8000;
	v8 =	vld.idx.msk [tilespmem:v8+s6+$0x0], $0xffff;
	v2 =	vand.u32 $0xFFFF0000, v6;
	v6 =	vshll.u32 v6, $0x10  }
0xcb: {  	v15 =	vld.idx.msk [tilespmem:v15+s6+$0x0], $0xffff;
	v2 =	vsel vm1, v2, v6  }
0xcc: {  	v20 =	vld [tilespmem:s1+$0xFFFFFFE0];
	v12 =	vand.u32 $0x7FFF, v4;
	v2 =	vmul.f32 v2, v18  }
0xcd: {  	v19 =	vand.u32 $0x7FFF, v11;
	v13 =	vld.idx.msk [tilespmem:v13+s6+$0x0], $0xffff  }
0xce: {  	v17 =	vand.u32 $0x7FFF, v10;
	v4 =	vand.u32 $0xFFFF8000, v4;
	[tilespmem:v16+s24+$0x0] =	vst.idx.add.f32.msk $0xffff, v2  }
0xcf: {  	v14 =	vand.u32 $0x7FFF, v7;
	v3 =	vand.u32 $0xFFFF8000, v3;
	vm2 =	veq.s32 v4, $0x8000;
	v2 =	vld [tilespmem:s7+$0xFFFFFFC0]  }
0xd0: {  	v4 =	vld [tilespmem:s1+$0xFFFFFFD0];
	v54 =	vshll.u32 v15, $0x10;
	v57 =	vand.u32 $0xFFFF0000, v8;
	v8 =	vshll.u32 v8, $0x10  }
0xd1: {  	v12 =	vld.idx.msk [tilespmem:v12+s6+$0x0], $0xffff;
	vm1 =	veq.s32 v3, $0x8000;
	v3 =	vand.u32 $0xFFFF8000, v5;
	v5 =	vand.u32 $0xFFFF8000, v9  }
0xd2: {  	v50 =	vld.idx.msk [tilespmem:v19+s6+$0x0], $0xffff;
	v58 =	vand.u32 $0xFFFF0000, v13;
	vm4 =	veq.s32 v5, $0x8000;
	v5 =	vand.u32 $0xFFFF0000, v15  }
0xd3: {  	v6 =	vld.idx.msk [tilespmem:v17+s6+$0x0], $0xffff;
	vm3 =	veq.s32 v3, $0x8000;
	v3 =	vand.u32 $0xFFFF8000, v7;
	v5 =	vsel vm4, v5, v54  }
0xd4: {  	v14 =	vld.idx.msk [tilespmem:v14+s6+$0x0], $0xffff;
	vm5 =	veq.s32 v3, $0x8000;
	v3 =	vand.u32 $0xFFFF8000, v10;
	v2 =	vmul.f32 v5, v2  }
0xd5: {  	v5 =	vsel vm1, v57, v8;
	vm1 =	veq.s32 v3, $0x8000;
	v3 =	vand.u32 $0xFFFF8000, v11;
	v8 =	vld [tilespmem:s1+$0xFFFFFFF0]  }
0xd6: {  	v59 =	vshll.u32 v13, $0x10;
	v7 =	vld [tilespmem:s7+$0xFFFFFFF0];
	vm15 =	veq.s32 v3, $0x8000;
	v3 =	vmul.f32 v5, v51  }
0xd7: {  	v63 =	vshll.u32 v50, $0x10;
	v10 =	vsel vm3, v58, v59;
	[tilespmem:v52+s24+$0x0] =	vst.idx.add.f32.msk $0xffff, v2  }
0xd8: {  	v61 =	vand.u32 $0xFFFF0000, v6;
	v5 =	vand.u32 $0xFFFF0000, v12;
	v2 =	vshll.u32 v12, $0x10;
	[tilespmem:v4+s24+$0x0] =	vst.idx.add.f32.msk $0xffff, v3  }
0xd9: {  	v2 =	vsel vm2, v5, v2;
	v5 =	vand.u32 $0xFFFF0000, v14;
	v3 =	vshll.u32 v14, $0x10;
	v4 =	vld [tilespmem:s1+$0x0]  }
0xda: {  	v6 =	vshll.u32 v6, $0x10;
	v62 =	vsel vm5, v5, v3;
	v2 =	vmul.f32 v2, v53;
	v5 =	vld [tilespmem:s1+$0x10]  }
0xdb: {  	v10 =	vmul.f32 v10, v7;
	v11 =	vsel vm1, v61, v6;
	v6 =	vand.u32 $0xFFFF0000, v50;
	v3 =	vld [tilespmem:s1+$0x20]  }
0xdc: {  	v7 =	vmul.f32 v11, v56;
	v14 =	vsel vm15, v6, v63;
	[tilespmem:v20+s24+$0x0] =	vst.idx.add.f32.msk $0xffff, v2  }
0xdd: {  	s8 =	simm.s32 $0x0;
	s9 =	simm.s32 $0x1C0C0;
	v6 =	vmul.f32 v62, v55;
	v2 =	vmul.f32 v14, v60;
	[tilespmem:v8+s24+$0x0] =	vst.idx.add.f32.msk $0xffff, v10  }
.LBB2_8:
0xde: {  	v8 =	vld [tilespmem:s9+$0x30];
	s8 =	sadd.s32 $0x80, s8  }
0xdf: {  	v9 =	vld [tilespmem:s9+$0xFFFFFFD0];
	p3 =	slt.u32 s8, $0xB80  }
0xe0: {  	v10 =	vld [tilespmem:s9+$0xFFFFFFE0]  }
0xe1: {  	v11 =	vld [tilespmem:s9+$0xFFFFFFF0]  }
0xe2: {  	v12 =	vld [tilespmem:s9+$0x0]  }
0xe3: {  	v13 =	vld [tilespmem:s9+$0x10];
	v14 =	vand.u32 $0x7FFF, v8  }
0xe4: {  	v15 =	vand.u32 $0x7FFF, v9;
	v9 =	vand.u32 $0xFFFF8000, v9;
	v16 =	vld [tilespmem:s9+$0x20]  }
0xe5: {  	v17 =	vld [tilespmem:s9+$0xFFFFFFC0];
	vm6 =	veq.s32 v9, $0x8000;
	v9 =	vand.u32 $0x7FFF, v10;
	v10 =	vand.u32 $0xFFFF8000, v10  }
0xe6: {  	vm4 =	veq.s32 v10, $0x8000;
	v10 =	vand.u32 $0x7FFF, v11;
	v11 =	vand.u32 $0xFFFF8000, v11;
	[tilespmem:v4+s24+$0x0] =	vst.idx.add.f32.msk $0xffff, v6  }
0xe7: {  	vm5 =	veq.s32 v11, $0x8000;
	v4 =	vand.u32 $0x7FFF, v12;
	v6 =	vand.u32 $0xFFFF8000, v12;
	[tilespmem:v5+s24+$0x0] =	vst.idx.add.f32.msk $0xffff, v7  }
0xe8: {  	vm3 =	veq.s32 v6, $0x8000;
	v5 =	vand.u32 $0x7FFF, v13;
	v6 =	vand.u32 $0xFFFF8000, v13;
	v7 =	vld.idx.msk [tilespmem:v14+s6+$0x0], $0xffff  }
0xe9: {  	s1 =	sadd.s32 $0x80, s1;
	v11 =	vld.idx.msk [tilespmem:v15+s6+$0x0], $0xffff;
	vm1 =	veq.s32 v6, $0x8000;
	v6 =	vand.u32 $0x7FFF, v16;
	v12 =	vand.u32 $0xFFFF8000, v16  }
0xea: {  	s7 =	sadd.s32 $0x80, s7;
	v13 =	vand.u32 $0x7FFF, v17;
	v14 =	vand.u32 $0xFFFF8000, v17;
	vm2 =	veq.s32 v12, $0x8000;
	v12 =	vld [tilespmem:s1+$0x30]  }
0xeb: {  	vm7 =	veq.s32 v14, $0x8000;
	v14 =	vld [tilespmem:s7+$0x30]  }
0xec: {  	v9 =	vld.idx.msk [tilespmem:v9+s6+$0x0], $0xffff  }
0xed: {  	v8 =	vand.u32 $0xFFFF8000, v8;
	v10 =	vld.idx.msk [tilespmem:v10+s6+$0x0], $0xffff  }
0xee: {  	vm8 =	veq.s32 v8, $0x8000;
	v15 =	vand.u32 $0xFFFF0000, v7;
	v7 =	vshll.u32 v7, $0x10;
	v4 =	vld.idx.msk [tilespmem:v4+s6+$0x0], $0xffff  }
0xef: {  	v7 =	vsel vm8, v15, v7;
	v8 =	vld.idx.msk [tilespmem:v13+s6+$0x0], $0xffff;
	v13 =	vand.u32 $0xFFFF0000, v11;
	v11 =	vshll.u32 v11, $0x10  }
0xf0: {  	v11 =	vsel vm6, v13, v11;
	v5 =	vld.idx.msk [tilespmem:v5+s6+$0x0], $0xffff;
	v7 =	vmul.f32 v7, v14  }
0xf1: {  	v6 =	vld.idx.msk [tilespmem:v6+s6+$0x0], $0xffff  }
0xf2: {  	v13 =	vand.u32 $0xFFFF0000, v9;
	v9 =	vshll.u32 v9, $0x10;
	[tilespmem:v12+s24+$0x0] =	vst.idx.add.f32.msk $0xffff, v7  }
0xf3: {  	v9 =	vsel vm4, v13, v9;
	v12 =	vand.u32 $0xFFFF0000, v10;
	v10 =	vshll.u32 v10, $0x10;
	v7 =	vld [tilespmem:s7+$0xFFFFFFC0]  }
0xf4: {  	v10 =	vsel vm5, v12, v10;
	v12 =	vand.u32 $0xFFFF0000, v4;
	v4 =	vshll.u32 v4, $0x10;
	v13 =	vld [tilespmem:s7+$0xFFFFFFD0]  }
0xf5: {  	v14 =	vand.u32 $0xFFFF0000, v8;
	v8 =	vshll.u32 v8, $0x10;
	v4 =	vsel vm3, v12, v4;
	v15 =	vld [tilespmem:s7+$0xFFFFFFE0]  }
0xf6: {  	v8 =	vsel vm7, v14, v8;
	v14 =	vand.u32 $0xFFFF0000, v5;
	v5 =	vshll.u32 v5, $0x10;
	v12 =	vld [tilespmem:s7+$0xFFFFFFF0]  }
0xf7: {  	v5 =	vsel vm1, v14, v5;
	v14 =	vand.u32 $0xFFFF0000, v6;
	v6 =	vshll.u32 v6, $0x10;
	v16 =	vld [tilespmem:s7+$0x0]  }
0xf8: {  	v14 =	vsel vm2, v14, v6;
	v8 =	vmul.f32 v8, v7;
	v7 =	vld [tilespmem:s7+$0x10]  }
0xf9: {  	v11 =	vmul.f32 v11, v13;
	v13 =	vld [tilespmem:s7+$0x20]  }
0xfa: {  	v17 =	vld [tilespmem:s1+$0xFFFFFFC0];
	v9 =	vmul.f32 v9, v15  }
0xfb: {  	v15 =	vld [tilespmem:s1+$0xFFFFFFD0];
	v10 =	vmul.f32 v10, v12  }
0xfc: {  	v12 =	vld [tilespmem:s1+$0xFFFFFFE0];
	v6 =	vmul.f32 v4, v16  }
0xfd: {  	v16 =	vld [tilespmem:s1+$0xFFFFFFF0];
	v7 =	vmul.f32 v5, v7  }
0xfe: {  	v4 =	vld [tilespmem:s1+$0x0];
	v13 =	vmul.f32 v14, v13  }
0xff: {  	v5 =	vld [tilespmem:s1+$0x10]  }
0x100: {  	v14 =	vld [tilespmem:s1+$0x20]  }
.Ltmp3:
0x101: {  	[tilespmem:v3+s24+$0x0] =	vst.idx.add.f32.msk $0xffff, v2;
	v2 =	vmov v13;
	(pc) =	sbr.rel @p3 .LBB2_8-.Ltmp3, $4  }
0x102: {  	[tilespmem:v17+s24+$0x0] =	vst.idx.add.f32.msk $0xffff, v8  }
0x103: {  	[tilespmem:v15+s24+$0x0] =	vst.idx.add.f32.msk $0xffff, v11  }
0x104: {  	[tilespmem:v12+s24+$0x0] =	vst.idx.add.f32.msk $0xffff, v9  }
0x105: {  	s9 =	sadd.s32 $0x80, s9;
	[tilespmem:v16+s24+$0x0] =	vst.idx.add.f32.msk $0xffff, v10;
	v3 =	vmov v14  }
0x106: {  	_ =	sdelay $0x3  }
0x107: {  	[tilespmem:v4+s24+$0x0] =	vst.idx.add.f32.msk $0xffff, v6  }
0x108: {  	[tilespmem:v5+s24+$0x0] =	vst.idx.add.f32.msk $0xffff, v7  }
0x109: {  	[tilespmem:v3+s24+$0x0] =	vst.idx.add.f32.msk $0xffff, v2  }
.LBB2_10:
0x10a: {  	s1 =	sadd.s32 @!p2 s18, s26  }
0x10b: {  	p3 =	slt.s32 @!p2 s1, $0x575  }
0x10c: {  	p3 =	por !p3, p2  }
0x10d: {  	s1 =	simm.s32 @p3 $0x575  }
0x10e: {  	s1 =	smul.u32 @!p2 $0x180, s1;
	_ =	sdelay $0x1  }
0x10f: {  	s8 =	simm.s32 @!p2 $0x1B400;
	s7 =	sadd.s32 @!p2 s2, s1  }
0x110: {  	[tilespmem:s8], [sflag:$0x2] =	stream.linear.gather @!p2 [hbm4b:s7+s28], $0xC00, $0x38;
	[tilespmem:$0x1FE00] =	vst v63  }
0x111: {  	s7 =	sadd.s32 @!p2 s3, s1;
	s8 =	simm.s32 @!p2 $0x1C000  }
0x112: {  	[tilespmem:s8], [sflag:$0x2] =	stream.linear.gather @!p2 [hbm4b:s7+s28], $0xC00, $0x38;
	[tilespmem:$0x1FE00] =	vst v63  }
0x113: {  	s1 =	sadd.s32 @!p2 s5, s1;
	s7 =	simm.s32 @!p2 $0x1CC00  }
0x114: {  	[tilespmem:s7], [sflag:$0x2] =	stream.linear.gather @!p2 [hbm4b:s1+s28], $0xC00, $0x38;
	[tilespmem:$0x1FE00] =	vst v63  }
0x115: {  	_ =	swait.ge [sflag:s29], $0xC00  }
0x116: {  	[sflag:s29] =	ssyncset.done $0x0  }
0x117: {  	[sflag:s29] =	ssyncadd.s32 $0xFFFFF400  }
0x118: {  	p3 =	sge.u32 s26, s19;
	_ =	swait.ge [sflag:s29], $0xC00  }
.Ltmp4:
0x119: {  	[sflag:s29] =	ssyncset.done $0x0;
	(pc) =	sbr.rel @p3 .LBB2_14-.Ltmp4, $4  }
0x11a: {  	[sflag:s29] =	ssyncadd.s32 $0xFFFFF400  }
0x11b: {  	_ =	swait.ge [sflag:s29], $0xC00  }
0x11c: {  	[sflag:s29] =	ssyncset.done $0x0  }
0x11d: {  	[sflag:s29] =	ssyncadd.s32 $0xFFFFF400  }
0x11e: {  	s1 =	simm.s32 $0x1E440  }
0x11f: {  	v2 =	vld [tilespmem:s1+$0x30]  }
0x120: {  	v3 =	vld [tilespmem:s1+$0xFFFFFFD0]  }
0x121: {  	v4 =	vld [tilespmem:s1+$0xFFFFFFE0]  }
0x122: {  	v5 =	vld [tilespmem:s1+$0xFFFFFFF0]  }
0x123: {  	v7 =	vld [tilespmem:s1+$0x0]  }
0x124: {  	v9 =	vld [tilespmem:s1+$0xFFFFFFC0]  }
0x125: {  	v10 =	vld [tilespmem:s1+$0x10]  }
0x126: {  	s7 =	simm.s32 $0x1F040;
	v11 =	vld [tilespmem:s1+$0x20];
	v6 =	vand.u32 $0x7FFF, v2  }
0x127: {  	v18 =	vld [tilespmem:s7+$0x30]  }
0x128: {  	v51 =	vld [tilespmem:s7+$0xFFFFFFD0]  }
0x129: {  	v53 =	vld [tilespmem:s7+$0xFFFFFFE0]  }
0x12a: {  	v55 =	vld [tilespmem:s7+$0x0]  }
0x12b: {  	s1 =	simm.s32 $0x1D840;
	v8 =	vand.u32 $0x7FFF, v3;
	v6 =	vld.idx.msk [tilespmem:v6+s6+$0x0], $0xffff  }
0x12c: {  	v16 =	vld [tilespmem:s1+$0x30];
	v15 =	vand.u32 $0x7FFF, v9  }
0x12d: {  	v56 =	vld [tilespmem:s7+$0x10]  }
0x12e: {  	v60 =	vld [tilespmem:s7+$0x20];
	v13 =	vand.u32 $0x7FFF, v5  }
0x12f: {  	v52 =	vld [tilespmem:s1+$0xFFFFFFC0];
	v2 =	vand.u32 $0xFFFF8000, v2  }
0x130: {  	vm1 =	veq.s32 v2, $0x8000;
	v8 =	vld.idx.msk [tilespmem:v8+s6+$0x0], $0xffff;
	v2 =	vand.u32 $0xFFFF0000, v6;
	v6 =	vshll.u32 v6, $0x10  }
0x131: {  	v15 =	vld.idx.msk [tilespmem:v15+s6+$0x0], $0xffff;
	v2 =	vsel vm1, v2, v6  }
0x132: {  	v20 =	vld [tilespmem:s1+$0xFFFFFFE0];
	v12 =	vand.u32 $0x7FFF, v4;
	v2 =	vmul.f32 v2, v18  }
0x133: {  	v19 =	vand.u32 $0x7FFF, v11;
	v13 =	vld.idx.msk [tilespmem:v13+s6+$0x0], $0xffff  }
0x134: {  	v17 =	vand.u32 $0x7FFF, v10;
	v4 =	vand.u32 $0xFFFF8000, v4;
	[tilespmem:v16+s24+$0x0] =	vst.idx.add.f32.msk $0xffff, v2  }
0x135: {  	v14 =	vand.u32 $0x7FFF, v7;
	v3 =	vand.u32 $0xFFFF8000, v3;
	vm2 =	veq.s32 v4, $0x8000;
	v2 =	vld [tilespmem:s7+$0xFFFFFFC0]  }
0x136: {  	v4 =	vld [tilespmem:s1+$0xFFFFFFD0];
	v54 =	vshll.u32 v15, $0x10;
	v57 =	vand.u32 $0xFFFF0000, v8;
	v8 =	vshll.u32 v8, $0x10  }
0x137: {  	v12 =	vld.idx.msk [tilespmem:v12+s6+$0x0], $0xffff;
	vm1 =	veq.s32 v3, $0x8000;
	v3 =	vand.u32 $0xFFFF8000, v5;
	v5 =	vand.u32 $0xFFFF8000, v9  }
0x138: {  	v50 =	vld.idx.msk [tilespmem:v19+s6+$0x0], $0xffff;
	v58 =	vand.u32 $0xFFFF0000, v13;
	vm4 =	veq.s32 v5, $0x8000;
	v5 =	vand.u32 $0xFFFF0000, v15  }
0x139: {  	v6 =	vld.idx.msk [tilespmem:v17+s6+$0x0], $0xffff;
	vm3 =	veq.s32 v3, $0x8000;
	v3 =	vand.u32 $0xFFFF8000, v7;
	v5 =	vsel vm4, v5, v54  }
0x13a: {  	v14 =	vld.idx.msk [tilespmem:v14+s6+$0x0], $0xffff;
	vm5 =	veq.s32 v3, $0x8000;
	v3 =	vand.u32 $0xFFFF8000, v10;
	v2 =	vmul.f32 v5, v2  }
0x13b: {  	v5 =	vsel vm1, v57, v8;
	vm1 =	veq.s32 v3, $0x8000;
	v3 =	vand.u32 $0xFFFF8000, v11;
	v8 =	vld [tilespmem:s1+$0xFFFFFFF0]  }
0x13c: {  	v59 =	vshll.u32 v13, $0x10;
	v7 =	vld [tilespmem:s7+$0xFFFFFFF0];
	vm15 =	veq.s32 v3, $0x8000;
	v3 =	vmul.f32 v5, v51  }
0x13d: {  	v63 =	vshll.u32 v50, $0x10;
	v10 =	vsel vm3, v58, v59;
	[tilespmem:v52+s24+$0x0] =	vst.idx.add.f32.msk $0xffff, v2  }
0x13e: {  	v61 =	vand.u32 $0xFFFF0000, v6;
	v5 =	vand.u32 $0xFFFF0000, v12;
	v2 =	vshll.u32 v12, $0x10;
	[tilespmem:v4+s24+$0x0] =	vst.idx.add.f32.msk $0xffff, v3  }
0x13f: {  	v2 =	vsel vm2, v5, v2;
	v5 =	vand.u32 $0xFFFF0000, v14;
	v3 =	vshll.u32 v14, $0x10;
	v4 =	vld [tilespmem:s1+$0x0]  }
0x140: {  	v6 =	vshll.u32 v6, $0x10;
	v62 =	vsel vm5, v5, v3;
	v2 =	vmul.f32 v2, v53;
	v5 =	vld [tilespmem:s1+$0x10]  }
0x141: {  	v10 =	vmul.f32 v10, v7;
	v11 =	vsel vm1, v61, v6;
	v6 =	vand.u32 $0xFFFF0000, v50;
	v3 =	vld [tilespmem:s1+$0x20]  }
0x142: {  	v7 =	vmul.f32 v11, v56;
	v14 =	vsel vm15, v6, v63;
	[tilespmem:v20+s24+$0x0] =	vst.idx.add.f32.msk $0xffff, v2  }
0x143: {  	s8 =	simm.s32 $0x0;
	s9 =	simm.s32 $0x1E4C0;
	v6 =	vmul.f32 v62, v55;
	v2 =	vmul.f32 v14, v60;
	[tilespmem:v8+s24+$0x0] =	vst.idx.add.f32.msk $0xffff, v10  }
.LBB2_12:
0x144: {  	v8 =	vld [tilespmem:s9+$0x30];
	s8 =	sadd.s32 $0x80, s8  }
0x145: {  	v9 =	vld [tilespmem:s9+$0xFFFFFFD0];
	p3 =	slt.u32 s8, $0xB80  }
0x146: {  	v10 =	vld [tilespmem:s9+$0xFFFFFFE0]  }
0x147: {  	v11 =	vld [tilespmem:s9+$0xFFFFFFF0]  }
0x148: {  	v12 =	vld [tilespmem:s9+$0x0]  }
0x149: {  	v13 =	vld [tilespmem:s9+$0x10];
	v14 =	vand.u32 $0x7FFF, v8  }
0x14a: {  	v15 =	vand.u32 $0x7FFF, v9;
	v9 =	vand.u32 $0xFFFF8000, v9;
	v16 =	vld [tilespmem:s9+$0x20]  }
0x14b: {  	v17 =	vld [tilespmem:s9+$0xFFFFFFC0];
	vm6 =	veq.s32 v9, $0x8000;
	v9 =	vand.u32 $0x7FFF, v10;
	v10 =	vand.u32 $0xFFFF8000, v10  }
0x14c: {  	vm4 =	veq.s32 v10, $0x8000;
	v10 =	vand.u32 $0x7FFF, v11;
	v11 =	vand.u32 $0xFFFF8000, v11;
	[tilespmem:v4+s24+$0x0] =	vst.idx.add.f32.msk $0xffff, v6  }
0x14d: {  	vm5 =	veq.s32 v11, $0x8000;
	v4 =	vand.u32 $0x7FFF, v12;
	v6 =	vand.u32 $0xFFFF8000, v12;
	[tilespmem:v5+s24+$0x0] =	vst.idx.add.f32.msk $0xffff, v7  }
0x14e: {  	vm3 =	veq.s32 v6, $0x8000;
	v5 =	vand.u32 $0x7FFF, v13;
	v6 =	vand.u32 $0xFFFF8000, v13;
	v7 =	vld.idx.msk [tilespmem:v14+s6+$0x0], $0xffff  }
0x14f: {  	s1 =	sadd.s32 $0x80, s1;
	v11 =	vld.idx.msk [tilespmem:v15+s6+$0x0], $0xffff;
	vm1 =	veq.s32 v6, $0x8000;
	v6 =	vand.u32 $0x7FFF, v16;
	v12 =	vand.u32 $0xFFFF8000, v16  }
0x150: {  	s7 =	sadd.s32 $0x80, s7;
	v13 =	vand.u32 $0x7FFF, v17;
	v14 =	vand.u32 $0xFFFF8000, v17;
	vm2 =	veq.s32 v12, $0x8000;
	v12 =	vld [tilespmem:s1+$0x30]  }
0x151: {  	vm7 =	veq.s32 v14, $0x8000;
	v14 =	vld [tilespmem:s7+$0x30]  }
0x152: {  	v9 =	vld.idx.msk [tilespmem:v9+s6+$0x0], $0xffff  }
0x153: {  	v8 =	vand.u32 $0xFFFF8000, v8;
	v10 =	vld.idx.msk [tilespmem:v10+s6+$0x0], $0xffff  }
0x154: {  	vm8 =	veq.s32 v8, $0x8000;
	v15 =	vand.u32 $0xFFFF0000, v7;
	v7 =	vshll.u32 v7, $0x10;
	v4 =	vld.idx.msk [tilespmem:v4+s6+$0x0], $0xffff  }
0x155: {  	v7 =	vsel vm8, v15, v7;
	v8 =	vld.idx.msk [tilespmem:v13+s6+$0x0], $0xffff;
	v13 =	vand.u32 $0xFFFF0000, v11;
	v11 =	vshll.u32 v11, $0x10  }
0x156: {  	v11 =	vsel vm6, v13, v11;
	v5 =	vld.idx.msk [tilespmem:v5+s6+$0x0], $0xffff;
	v7 =	vmul.f32 v7, v14  }
0x157: {  	v6 =	vld.idx.msk [tilespmem:v6+s6+$0x0], $0xffff  }
0x158: {  	v13 =	vand.u32 $0xFFFF0000, v9;
	v9 =	vshll.u32 v9, $0x10;
	[tilespmem:v12+s24+$0x0] =	vst.idx.add.f32.msk $0xffff, v7  }
0x159: {  	v9 =	vsel vm4, v13, v9;
	v12 =	vand.u32 $0xFFFF0000, v10;
	v10 =	vshll.u32 v10, $0x10;
	v7 =	vld [tilespmem:s7+$0xFFFFFFC0]  }
0x15a: {  	v10 =	vsel vm5, v12, v10;
	v12 =	vand.u32 $0xFFFF0000, v4;
	v4 =	vshll.u32 v4, $0x10;
	v13 =	vld [tilespmem:s7+$0xFFFFFFD0]  }
0x15b: {  	v14 =	vand.u32 $0xFFFF0000, v8;
	v8 =	vshll.u32 v8, $0x10;
	v4 =	vsel vm3, v12, v4;
	v15 =	vld [tilespmem:s7+$0xFFFFFFE0]  }
0x15c: {  	v8 =	vsel vm7, v14, v8;
	v14 =	vand.u32 $0xFFFF0000, v5;
	v5 =	vshll.u32 v5, $0x10;
	v12 =	vld [tilespmem:s7+$0xFFFFFFF0]  }
0x15d: {  	v5 =	vsel vm1, v14, v5;
	v14 =	vand.u32 $0xFFFF0000, v6;
	v6 =	vshll.u32 v6, $0x10;
	v16 =	vld [tilespmem:s7+$0x0]  }
0x15e: {  	v14 =	vsel vm2, v14, v6;
	v8 =	vmul.f32 v8, v7;
	v7 =	vld [tilespmem:s7+$0x10]  }
0x15f: {  	v11 =	vmul.f32 v11, v13;
	v13 =	vld [tilespmem:s7+$0x20]  }
0x160: {  	v17 =	vld [tilespmem:s1+$0xFFFFFFC0];
	v9 =	vmul.f32 v9, v15  }
0x161: {  	v15 =	vld [tilespmem:s1+$0xFFFFFFD0];
	v10 =	vmul.f32 v10, v12  }
0x162: {  	v12 =	vld [tilespmem:s1+$0xFFFFFFE0];
	v6 =	vmul.f32 v4, v16  }
0x163: {  	v16 =	vld [tilespmem:s1+$0xFFFFFFF0];
	v7 =	vmul.f32 v5, v7  }
0x164: {  	v4 =	vld [tilespmem:s1+$0x0];
	v13 =	vmul.f32 v14, v13  }
0x165: {  	v5 =	vld [tilespmem:s1+$0x10]  }
0x166: {  	v14 =	vld [tilespmem:s1+$0x20]  }
.Ltmp5:
0x167: {  	[tilespmem:v3+s24+$0x0] =	vst.idx.add.f32.msk $0xffff, v2;
	v2 =	vmov v13;
	(pc) =	sbr.rel @p3 .LBB2_12-.Ltmp5, $4  }
0x168: {  	[tilespmem:v17+s24+$0x0] =	vst.idx.add.f32.msk $0xffff, v8  }
0x169: {  	[tilespmem:v15+s24+$0x0] =	vst.idx.add.f32.msk $0xffff, v11  }
0x16a: {  	[tilespmem:v12+s24+$0x0] =	vst.idx.add.f32.msk $0xffff, v9  }
0x16b: {  	s9 =	sadd.s32 $0x80, s9;
	[tilespmem:v16+s24+$0x0] =	vst.idx.add.f32.msk $0xffff, v10;
	v3 =	vmov v14  }
0x16c: {  	_ =	sdelay $0x3  }
0x16d: {  	[tilespmem:v4+s24+$0x0] =	vst.idx.add.f32.msk $0xffff, v6  }
0x16e: {  	[tilespmem:v5+s24+$0x0] =	vst.idx.add.f32.msk $0xffff, v7  }
0x16f: {  	[tilespmem:v3+s24+$0x0] =	vst.idx.add.f32.msk $0xffff, v2  }
.LBB2_14:
.Ltmp6:
0x170: {  	(pc) =	sbr.rel @p2 .LBB2_16-.Ltmp6, $1  }
0x171: {  	_ =	sdelay $0x3  }
0x172: {  	s1 =	sadd.s32 s22, s26  }
0x173: {  	p2 =	slt.s32 s1, $0x575  }
0x174: {  	s1 =	simm.s32 @!p2 $0x575  }
0x175: {  	s1 =	smul.u32 $0x180, s1;
	_ =	sdelay $0x1  }
0x176: {  	s7 =	sadd.s32 s2, s1  }
0x177: {  	[tilespmem:s14], [sflag:$0x3] =	stream.linear.gather [hbm4b:s7+s6], $0xC00, $0x38;
	[tilespmem:$0x1FE00] =	vst v63  }
.Ltmp7:
0x178: {  	_ = 	snop;
	(pc) =	sbr.rel .LBB2_4-.Ltmp7, $4  }
0x179: {  	s28 =	sadd.s32 s3, s1  }
0x17a: {  	[tilespmem:s15], [sflag:$0x3] =	stream.linear.gather [hbm4b:s28+s6], $0xC00, $0x38;
	[tilespmem:$0x1FE00] =	vst v63  }
0x17b: {  	s23 =	sadd.s32 $0x1, s23;
	s1 =	sadd.s32 s5, s1  }
0x17c: {  	[tilespmem:s20], [sflag:$0x3] =	stream.linear.gather [hbm4b:s1+s6], $0xC00, $0x38;
	[tilespmem:$0x1FE00] =	vst v63  }
.LBB2_16:
.Ltmp8:
0x17d: {  	(pc) =	sbr.rel @p0 .LBB2_21-.Ltmp8, $1  }
0x17e: {  	_ =	sdelay $0x3  }
.Ltmp9:
0x17f: {  	(pc) =	sbr.rel @p1 .LBB2_22-.Ltmp9, $1  }
0x180: {  	_ =	sdelay $0x3  }
0x181: {  	s1 =	simm.s32 $0x0;
	s7 =	rddreg [dreg:$0x10];
	s8 =	simm.s32 $0x19000  }
0x182: {  	[tilespmem:s8], [sflag:$0x4] =	stream.linear.gather [hbm4b:s7+s1], $0x130, $0x38;
	[tilespmem:$0x1FE00] =	vst v63  }
0x183: {  	_ =	swait.ge [sflag:s30], $0x130  }
0x184: {  	[sflag:s30] =	ssyncset.done $0x0  }
0x185: {  	s23 =	simm.s32 $0x19C00;
	s9 =	rddreg [dreg:$0x13];
	[sflag:s30] =	ssyncadd.s32 $0xFFFFFED0  }
0x186: {  	[tilespmem:s23], [sflag:$0x4] =	stream.linear.gather [hbm4b:s9+s1], $0x130, $0x38;
	[tilespmem:$0x1FE00] =	vst v63  }
0x187: {  	_ =	swait.ge [sflag:s30], $0x130  }
0x188: {  	[sflag:s30] =	ssyncset.done $0x0  }
0x189: {  	s28 =	simm.s32 $0x1A800;
	s26 =	rddreg [dreg:$0x14];
	[sflag:s30] =	ssyncadd.s32 $0xFFFFFED0  }
0x18a: {  	[tilespmem:s28], [sflag:$0x4] =	stream.linear.gather [hbm4b:s26+s1], $0x130, $0x38;
	[tilespmem:$0x1FE00] =	vst v63  }
0x18b: {  	_ =	swait.ge [sflag:s30], $0x130  }
0x18c: {  	[sflag:s30] =	ssyncset.done $0x0  }
0x18d: {  	p2 =	por $0x1, $0x1;
	[sflag:s30] =	ssyncadd.s32 $0xFFFFFED0  }
.LBB2_19:
0x18e: {  	v2 =	vld [tilespmem:s1+$0x19C00]  }
0x18f: {  	v4 =	vld [tilespmem:s1+$0x19000]  }
0x190: {  	v5 =	vld [tilespmem:s1+$0x1A800]  }
0x191: {  	v6 =	vld [tilespmem:s1+$0x19C10]  }
0x192: {  	v41 =	vld [tilespmem:s1+$0x1A810]  }
0x193: {  	v8 =	vld [tilespmem:s1+$0x19C30];
	v3 =	vand.u32 $0x7FFF, v2  }
0x194: {  	v9 =	vld [tilespmem:s1+$0x19020]  }
0x195: {  	v11 =	vld [tilespmem:s1+$0x19C40]  }
0x196: {  	v14 =	vld [tilespmem:s1+$0x19C50]  }
0x197: {  	v17 =	vld [tilespmem:s1+$0x19C60]  }
0x198: {  	v3 =	vld.idx.msk [tilespmem:v3+s6+$0x0], $0xffff  }
0x199: {  	v18 =	vld [tilespmem:s1+$0x19C70]  }
0x19a: {  	v10 =	vld [tilespmem:s1+$0x1A820];
	v12 =	vand.u32 $0x7FFF, v8  }
0x19b: {  	v13 =	vld [tilespmem:s1+$0x19030];
	v16 =	vand.u32 $0x7FFF, v11  }
0x19c: {  	v15 =	vld [tilespmem:s1+$0x1A830];
	v2 =	vand.u32 $0xFFFF8000, v2;
	v20 =	vand.u32 $0x7FFF, v14;
	v44 =	vand.u32 $0x7FFF, v17  }
0x19d: {  	v19 =	vld [tilespmem:s1+$0x19040];
	vm1 =	veq.s32 v2, $0x8000;
	v7 =	vand.u32 $0xFFFF0000, v3;
	v3 =	vshll.u32 v3, $0x10  }
0x19e: {  	v24 =	vand.u32 $0x7FFF, v18;
	v2 =	vsel vm1, v7, v3;
	v3 =	vld [tilespmem:s1+$0x19C20]  }
0x19f: {  	v40 =	vand.u32 $0x7FFF, v6;
	v12 =	vld.idx.msk [tilespmem:v12+s6+$0x0], $0xffff  }
0x1a0: {  	v43 =	vld.idx.msk [tilespmem:v16+s6+$0x0], $0xffff  }
0x1a1: {  	v48 =	vld.idx.msk [tilespmem:v20+s6+$0x0], $0xffff  }
0x1a2: {  	v52 =	vld.idx.msk [tilespmem:v44+s6+$0x0], $0xffff  }
0x1a3: {  	v55 =	vld.idx.msk [tilespmem:v24+s6+$0x0], $0xffff;
	v2 =	vmul.f32 v2, v5;
	v42 =	vand.u32 $0x7FFF, v3  }
0x1a4: {  	v5 =	vld.idx.msk [tilespmem:v40+s6+$0x0], $0xffff  }
0x1a5: {  	[tilespmem:v4+s24+$0x0] =	vst.idx.add.f32.msk $0xffff, v2  }
0x1a6: {  	v6 =	vand.u32 $0xFFFF8000, v6;
	v47 =	vand.u32 $0xFFFF8000, v8;
	v11 =	vand.u32 $0xFFFF8000, v11;
	v2 =	vld [tilespmem:s1+$0x19010]  }
0x1a7: {  	v22 =	vld [tilespmem:s1+$0x1A840];
	v14 =	vand.u32 $0xFFFF8000, v14;
	v58 =	vand.u32 $0xFFFF8000, v17;
	v61 =	vand.u32 $0xFFFF8000, v18  }
0x1a8: {  	v49 =	vand.u32 $0xFFFF0000, v12;
	v12 =	vshll.u32 v12, $0x10;
	v53 =	vand.u32 $0xFFFF0000, v43;
	v7 =	vld.idx.msk [tilespmem:v42+s6+$0x0], $0xffff  }
0x1a9: {  	v23 =	vld [tilespmem:s1+$0x19050];
	v56 =	vand.u32 $0xFFFF0000, v48;
	v8 =	vshll.u32 v48, $0x10;
	v60 =	vshll.u32 v52, $0x10  }
0x1aa: {  	v50 =	vld [tilespmem:s1+$0x19060];
	vm1 =	veq.s32 v6, $0x8000;
	v21 =	vand.u32 $0xFFFF0000, v5;
	v5 =	vshll.u32 v5, $0x10  }
0x1ab: {  	v54 =	vld [tilespmem:s1+$0x1A860];
	v62 =	vand.u32 $0xFFFF0000, v55;
	v63 =	vshll.u32 v55, $0x10;
	v5 =	vsel vm1, v21, v5  }
0x1ac: {  	v57 =	vld [tilespmem:s1+$0x19070];
	v6 =	vshll.u32 v43, $0x10;
	v3 =	vand.u32 $0xFFFF8000, v3;
	v4 =	vmul.f32 v5, v41  }
0x1ad: {  	vm1 =	veq.s32 v3, $0x8000;
	v3 =	vld [tilespmem:s1+$0x1A850];
	v45 =	vand.u32 $0xFFFF0000, v7;
	v7 =	vshll.u32 v7, $0x10  }
0x1ae: {  	[tilespmem:v2+s24+$0x0] =	vst.idx.add.f32.msk $0xffff, v4;
	v2 =	vand.u32 $0xFFFF0000, v52;
	v46 =	vsel vm1, v45, v7;
	vm1 =	veq.s32 v47, $0x8000  }
0x1af: {  	v59 =	vld [tilespmem:s1+$0x1A870];
	v5 =	vmul.f32 v46, v10;
	v51 =	vsel vm1, v49, v12;
	vm1 =	veq.s32 v11, $0x8000  }
0x1b0: {  	v10 =	vmul.f32 v51, v15;
	v6 =	vsel vm1, v53, v6;
	vm1 =	veq.s32 v14, $0x8000  }
0x1b1: {  	p3 =	por p2, p2;
	v8 =	vsel vm1, v56, v8;
	v6 =	vmul.f32 v6, v22;
	vm1 =	veq.s32 v58, $0x8000;
	[tilespmem:v9+s24+$0x0] =	vst.idx.add.f32.msk $0xffff, v5  }
.Ltmp10:
0x1b2: {  	v3 =	vmul.f32 v8, v3;
	v2 =	vsel vm1, v2, v60;
	[tilespmem:v13+s24+$0x0] =	vst.idx.add.f32.msk $0xffff, v10;
	vm1 =	veq.s32 v61, $0x8000;
	(pc) =	sbr.rel @p3 .LBB2_19-.Ltmp10, $4  }
0x1b3: {  	[tilespmem:v19+s24+$0x0] =	vst.idx.add.f32.msk $0xffff, v6;
	v2 =	vmul.f32 v2, v54;
	v4 =	vsel vm1, v62, v63  }
0x1b4: {  	[tilespmem:v23+s24+$0x0] =	vst.idx.add.f32.msk $0xffff, v3;
	v3 =	vmul.f32 v4, v59  }
0x1b5: {  	s7 =	simm.s32 $0xF0;
	s8 =	simm.s32 $0x1A900;
	s9 =	simm.s32 $0x19100;
	[tilespmem:v50+s24+$0x0] =	vst.idx.add.f32.msk $0xffff, v2  }
0x1b6: {  	s23 =	simm.s32 $0x19D00;
	p2 =	por $0x0, $0x0;
	s1 =	simm.s32 $0x80;
	[tilespmem:v57+s24+$0x0] =	vst.idx.add.f32.msk $0xffff, v3  }
.LBB2_20:
0x1b7: {  	v2 =	vld [tilespmem:s23+$0x0];
	_ =	sdelay $0x4  }
0x1b8: {  	v3 =	vand.u32 $0x7FFF, v2;
	_ =	sdelay $0x4  }
0x1b9: {  	v3 =	vld.idx.msk [tilespmem:v3+s6+$0x0], $0xffff  }
0x1ba: {  	v4 =	vld [tilespmem:s9+$0x0]  }
0x1bb: {  	v5 =	vld [tilespmem:s8+$0x0]  }
0x1bc: {  	s7 =	sadd.s32 $0x10, s7  }
0x1bd: {  	p2 =	slt.u32 s7, $0x120;
	v2 =	vand.u32 $0xFFFF8000, v2  }
.Ltmp11:
0x1be: {  	vm1 =	veq.s32 v2, $0x8000;
	v6 =	vand.u32 $0xFFFF0000, v3;
	v3 =	vshll.u32 v3, $0x10;
	(pc) =	sbr.rel @p2 .LBB2_20-.Ltmp11, $3  }
0x1bf: {  	v2 =	vsel vm1, v6, v3  }
0x1c0: {  	v2 =	vmul.f32 v2, v5;
	_ =	sdelay $0x1  }
0x1c1: {  	s8 =	sadd.s32 $0x10, s8;
	s9 =	sadd.s32 $0x10, s9;
	s23 =	sadd.s32 $0x10, s23;
	[tilespmem:v4+s24+$0x0] =	vst.idx.add.f32.msk $0xffff, v2  }
.Ltmp12:
0x1c2: {  	_ = 	snop;
	(pc) =	sbr.rel .LBB2_22-.Ltmp12, $1  }
0x1c3: {  	_ =	sdelay $0x3  }
.LBB2_21:
0x1c4: {  	[tilespmem:$0x1FC00] =	vst v1;
	s1 =	simm.s32 $0x10;
	s7 =	simm.s32 $0x1FC00;
	s8 =	simm.s32 $0x1FC80  }
0x1c5: {  	[tilespmem:s8], [sflag:$0x4] =	stream.indirect.gather [hbm4b:s2+s1], $0x1, s7, s1, $0xb8;
	[tilespmem:$0x1FE00] =	vst v63  }
0x1c6: {  	_ =	swait.ge [sflag:s30], $0x10  }
0x1c7: {  	[sflag:s30] =	ssyncset.done $0x0  }
0x1c8: {  	s26 =	simm.s32 $0x1FD00;
	[sflag:s30] =	ssyncadd.s32 $0xFFFFFFF0  }
0x1c9: {  	[tilespmem:s26], [sflag:$0x4] =	stream.indirect.gather [hbm4b:s3+s1], $0x1, s7, s1, $0xb8;
	[tilespmem:$0x1FE00] =	vst v63  }
0x1ca: {  	_ =	swait.ge [sflag:s30], $0x10  }
0x1cb: {  	[sflag:s30] =	ssyncset.done $0x0  }
0x1cc: {  	s28 =	simm.s32 $0x1FD80;
	[sflag:s30] =	ssyncadd.s32 $0xFFFFFFF0  }
0x1cd: {  	[tilespmem:s28], [sflag:$0x4] =	stream.indirect.gather [hbm4b:s5+s1], $0x1, s7, s1, $0xb8;
	[tilespmem:$0x1FE00] =	vst v63  }
0x1ce: {  	_ =	swait.ge [sflag:s30], $0x10  }
0x1cf: {  	[sflag:s30] =	ssyncset.done $0x0  }
0x1d0: {  	[sflag:s30] =	ssyncadd.s32 $0xFFFFFFF0  }
0x1d1: {  	v2 =	vld [tilespmem:$0x1FD00];
	_ =	sdelay $0x2  }
0x1d2: {  	v3 =	vld [tilespmem:$0x1FD80];
	_ =	sdelay $0x1  }
0x1d3: {  	v4 =	vand.u32 $0x7FFF, v2;
	_ =	sdelay $0x2  }
0x1d4: {  	v3 =	vnsel vm0, $0x0, v3  }
0x1d5: {  	[tilespmem:$0x1FD80] =	vst v3  }
0x1d6: {  	v4 =	vld.idx.msk [tilespmem:v4+s6+$0x0], $0xffff  }
0x1d7: {  	v5 =	vld [tilespmem:$0x1FC80];
	_ =	sdelay $0x2  }
0x1d8: {  	v2 =	vand.u32 $0xFFFF8000, v2  }
0x1d9: {  	vm1 =	veq.s32 v2, $0x8000;
	v6 =	vand.u32 $0xFFFF0000, v4;
	v4 =	vshll.u32 v4, $0x10  }
0x1da: {  	v2 =	vsel vm1, v6, v4  }
0x1db: {  	v2 =	vmul.f32 v2, v3;
	_ =	sdelay $0x1  }
0x1dc: {  	[tilespmem:v5+s24+$0x0] =	vst.idx.add.f32.msk $0xffff, v2  }
.LBB2_22:
0x1dd: {  	s1 =	rddreg [dreg:$0xf]  }
0x1de: {  	[hbm4b:s1+s31] =	stream.strided.scatter [tilespmem:s24], [sflag:$0x4], $0x10000, s0, s31, $0x38;
	[tilespmem:$0x1FE00] =	vst v63  }
0x1df: {  	_ =	swait.ge [sflag:s30], $0x10000  }
0x1e0: {  	[sflag:s30] =	ssyncset.done $0x0  }
0x1e1: {  	[sflag:s30] =	ssyncadd.s32 $0xFFFF0000  }
0x1e2: {  	[bflag:$0x0] =	sbarrier.arrive $0xFFFF  }
0x1e3: {  	[tilespmem:s24], [sflag:$0x1] =	stream.strided.gather [hbm4b:s21+s31], $0x1000, s0, s31, $0x38;
	[tilespmem:$0x1FE00] =	vst v63  }
0x1e4: {  	s23 =	rddreg [dreg:$0x15]  }
0x1e5: {  	s7 =	simm.s32 $0x9000;
	s26 =	rddreg [dreg:$0x16]  }
0x1e6: {  	[tilespmem:s7], [sflag:$0x1] =	stream.strided.gather [hbm4b:s23+s31], $0x1000, s0, s31, $0x38;
	[tilespmem:$0x1FE00] =	vst v63  }
0x1e7: {  	s28 =	simm.s32 $0xA000;
	s9 =	rddreg [dreg:$0x18]  }
0x1e8: {  	[tilespmem:s28], [sflag:$0x1] =	stream.strided.gather [hbm4b:s26+s31], $0x1000, s0, s31, $0x38;
	[tilespmem:$0x1FE00] =	vst v63  }
0x1e9: {  	s8 =	simm.s32 $0xB000;
	s7 =	rddreg [dreg:$0x17]  }
0x1ea: {  	[tilespmem:s8], [sflag:$0x1] =	stream.strided.gather [hbm4b:s7+s31], $0x1000, s0, s31, $0x38;
	[tilespmem:$0x1FE00] =	vst v63  }
0x1eb: {  	s23 =	simm.s32 $0xC000;
	s26 =	rddreg [dreg:$0x19]  }
0x1ec: {  	[tilespmem:s23], [sflag:$0x1] =	stream.strided.gather [hbm4b:s9+s31], $0x1000, s0, s31, $0x38;
	[tilespmem:$0x1FE00] =	vst v63  }
0x1ed: {  	s28 =	simm.s32 $0xD000;
	s7 =	rddreg [dreg:$0x1a]  }
0x1ee: {  	[tilespmem:s28], [sflag:$0x1] =	stream.strided.gather [hbm4b:s26+s31], $0x1000, s0, s31, $0x38;
	[tilespmem:$0x1FE00] =	vst v63  }
0x1ef: {  	s8 =	simm.s32 $0xE000;
	s9 =	rddreg [dreg:$0x1b]  }
0x1f0: {  	[tilespmem:s8], [sflag:$0x1] =	stream.strided.gather [hbm4b:s7+s31], $0x1000, s0, s31, $0x38;
	[tilespmem:$0x1FE00] =	vst v63  }
0x1f1: {  	s23 =	simm.s32 $0xF000;
	s26 =	rddreg [dreg:$0x1c]  }
0x1f2: {  	[tilespmem:s23], [sflag:$0x1] =	stream.strided.gather [hbm4b:s9+s31], $0x1000, s0, s31, $0x38;
	[tilespmem:$0x1FE00] =	vst v63  }
0x1f3: {  	s28 =	simm.s32 $0x10000;
	s7 =	rddreg [dreg:$0x1d]  }
0x1f4: {  	[tilespmem:s28], [sflag:$0x1] =	stream.strided.gather [hbm4b:s26+s31], $0x1000, s0, s31, $0x38;
	[tilespmem:$0x1FE00] =	vst v63  }
0x1f5: {  	s8 =	simm.s32 $0x11000;
	s9 =	rddreg [dreg:$0x1e]  }
0x1f6: {  	[tilespmem:s8], [sflag:$0x1] =	stream.strided.gather [hbm4b:s7+s31], $0x1000, s0, s31, $0x38;
	[tilespmem:$0x1FE00] =	vst v63  }
0x1f7: {  	s23 =	simm.s32 $0x12000;
	s26 =	rddreg [dreg:$0x1f]  }
0x1f8: {  	[tilespmem:s23], [sflag:$0x1] =	stream.strided.gather [hbm4b:s9+s31], $0x1000, s0, s31, $0x38;
	[tilespmem:$0x1FE00] =	vst v63  }
0x1f9: {  	s28 =	simm.s32 $0x13000;
	s7 =	sld [smem:$0x7FD]  }
0x1fa: {  	[tilespmem:s28], [sflag:$0x1] =	stream.strided.gather [hbm4b:s26+s31], $0x1000, s0, s31, $0x38;
	[tilespmem:$0x1FE00] =	vst v63  }
0x1fb: {  	s8 =	simm.s32 $0x14000  }
0x1fc: {  	[tilespmem:s8], [sflag:$0x1] =	stream.strided.gather [hbm4b:s7+s31], $0x1000, s0, s31, $0x38;
	[tilespmem:$0x1FE00] =	vst v63  }
0x1fd: {  	s9 =	simm.s32 $0x15000  }
0x1fe: {  	[tilespmem:s9], [sflag:$0x1] =	stream.strided.gather [hbm4b:s10+s31], $0x1000, s0, s31, $0x38;
	[tilespmem:$0x1FE00] =	vst v63  }
0x1ff: {  	s23 =	simm.s32 $0x16000  }
0x200: {  	[tilespmem:s23], [sflag:$0x1] =	stream.strided.gather [hbm4b:s11+s31], $0x1000, s0, s31, $0x38;
	[tilespmem:$0x1FE00] =	vst v63  }
0x201: {  	s26 =	simm.s32 $0x17000  }
0x202: {  	[tilespmem:s26], [sflag:$0x1] =	stream.strided.gather [hbm4b:s12+s31], $0x1000, s0, s31, $0x38;
	[tilespmem:$0x1FE00] =	vst v63  }
0x203: {  	_ =	swait.ge [sflag:s13], $0x1000  }
0x204: {  	[sflag:s13] =	ssyncset.done $0x0  }
0x205: {  	[sflag:s13] =	ssyncadd.s32 $0xFFFFF000  }
0x206: {  	_ =	swait.ge [sflag:s13], $0x1000  }
0x207: {  	[sflag:s13] =	ssyncset.done $0x0  }
0x208: {  	[sflag:s13] =	ssyncadd.s32 $0xFFFFF000  }
0x209: {  	_ =	swait.ge [sflag:s13], $0x1000  }
0x20a: {  	[sflag:s13] =	ssyncset.done $0x0  }
0x20b: {  	[sflag:s13] =	ssyncadd.s32 $0xFFFFF000  }
0x20c: {  	_ =	swait.ge [sflag:s13], $0x1000  }
0x20d: {  	[sflag:s13] =	ssyncset.done $0x0  }
0x20e: {  	[sflag:s13] =	ssyncadd.s32 $0xFFFFF000  }
0x20f: {  	_ =	swait.ge [sflag:s13], $0x1000  }
0x210: {  	[sflag:s13] =	ssyncset.done $0x0  }
0x211: {  	[sflag:s13] =	ssyncadd.s32 $0xFFFFF000  }
0x212: {  	_ =	swait.ge [sflag:s13], $0x1000  }
0x213: {  	[sflag:s13] =	ssyncset.done $0x0  }
0x214: {  	[sflag:s13] =	ssyncadd.s32 $0xFFFFF000  }
0x215: {  	_ =	swait.ge [sflag:s13], $0x1000  }
0x216: {  	[sflag:s13] =	ssyncset.done $0x0  }
0x217: {  	[sflag:s13] =	ssyncadd.s32 $0xFFFFF000  }
0x218: {  	_ =	swait.ge [sflag:s13], $0x1000  }
0x219: {  	[sflag:s13] =	ssyncset.done $0x0  }
0x21a: {  	[sflag:s13] =	ssyncadd.s32 $0xFFFFF000  }
0x21b: {  	_ =	swait.ge [sflag:s13], $0x1000  }
0x21c: {  	[sflag:s13] =	ssyncset.done $0x0  }
0x21d: {  	[sflag:s13] =	ssyncadd.s32 $0xFFFFF000  }
0x21e: {  	_ =	swait.ge [sflag:s13], $0x1000  }
0x21f: {  	[sflag:s13] =	ssyncset.done $0x0  }
0x220: {  	[sflag:s13] =	ssyncadd.s32 $0xFFFFF000  }
0x221: {  	_ =	swait.ge [sflag:s13], $0x1000  }
0x222: {  	[sflag:s13] =	ssyncset.done $0x0  }
0x223: {  	[sflag:s13] =	ssyncadd.s32 $0xFFFFF000  }
0x224: {  	_ =	swait.ge [sflag:s13], $0x1000  }
0x225: {  	[sflag:s13] =	ssyncset.done $0x0  }
0x226: {  	[sflag:s13] =	ssyncadd.s32 $0xFFFFF000  }
0x227: {  	_ =	swait.ge [sflag:s13], $0x1000  }
0x228: {  	[sflag:s13] =	ssyncset.done $0x0  }
0x229: {  	[sflag:s13] =	ssyncadd.s32 $0xFFFFF000  }
0x22a: {  	_ =	swait.ge [sflag:s13], $0x1000  }
0x22b: {  	[sflag:s13] =	ssyncset.done $0x0  }
0x22c: {  	[sflag:s13] =	ssyncadd.s32 $0xFFFFF000  }
0x22d: {  	_ =	swait.ge [sflag:s13], $0x1000  }
0x22e: {  	[sflag:s13] =	ssyncset.done $0x0  }
0x22f: {  	[sflag:s13] =	ssyncadd.s32 $0xFFFFF000  }
0x230: {  	_ =	swait.ge [sflag:s13], $0x1000  }
0x231: {  	[sflag:s13] =	ssyncset.done $0x0  }
0x232: {  	s23 =	simm.s32 $0x0;
	s26 =	simm.s32 $0x0;
	[sflag:s13] =	ssyncadd.s32 $0xFFFFF000  }
0x233: {  	s28 =	sand.u32 $0xFC0, s26;
	v2 =	vld [tilespmem:s23+$0x8000]  }
0x234: {  	v3 =	vld [tilespmem:s28+$0x9000]  }
0x235: {  	v4 =	vld [tilespmem:s23+$0x8010]  }
0x236: {  	v5 =	vld [tilespmem:s28+$0xA000]  }
0x237: {  	v6 =	vld [tilespmem:s23+$0x9010]  }
0x238: {  	v7 =	vld [tilespmem:s28+$0xB000]  }
0x239: {  	v8 =	vld [tilespmem:s23+$0x8020]  }
0x23a: {  	v9 =	vld [tilespmem:s28+$0xC000]  }
0x23b: {  	v10 =	vld [tilespmem:s23+$0x9020]  }
0x23c: {  	v11 =	vld [tilespmem:s28+$0xD000]  }
0x23d: {  	v12 =	vld [tilespmem:s23+$0x8030]  }
0x23e: {  	v13 =	vld [tilespmem:s28+$0xE000]  }
0x23f: {  	v14 =	vld [tilespmem:s23+$0x9030]  }
0x240: {  	v15 =	vld [tilespmem:s28+$0xF000]  }
0x241: {  	v16 =	vld [tilespmem:s23+$0xA010]  }
0x242: {  	v17 =	vld [tilespmem:s28+$0x10000]  }
0x243: {  	v18 =	vld [tilespmem:s23+$0xA020]  }
0x244: {  	v19 =	vld [tilespmem:s28+$0x11000]  }
0x245: {  	v20 =	vld [tilespmem:s23+$0xA030]  }
0x246: {  	v21 =	vld [tilespmem:s28+$0x12000]  }
0x247: {  	v22 =	vld [tilespmem:s23+$0xB010]  }
0x248: {  	v23 =	vld [tilespmem:s28+$0x13000]  }
0x249: {  	v24 =	vld [tilespmem:s23+$0xB020]  }
0x24a: {  	v25 =	vld [tilespmem:s28+$0x14000]  }
0x24b: {  	v26 =	vld [tilespmem:s23+$0xB030]  }
0x24c: {  	v27 =	vld [tilespmem:s28+$0x15000]  }
0x24d: {  	v28 =	vld [tilespmem:s23+$0xC010]  }
0x24e: {  	v29 =	vld [tilespmem:s28+$0x16000]  }
0x24f: {  	v30 =	vld [tilespmem:s23+$0xC020]  }
0x250: {  	v31 =	vld [tilespmem:s28+$0x17000]  }
0x251: {  	v32 =	vld [tilespmem:s23+$0xC030]  }
0x252: {  	v33 =	vld [tilespmem:s23+$0xD020];
	v2 =	vadd.f32 v3, v2  }
0x253: {  	v34 =	vld [tilespmem:s23+$0xE010]  }
0x254: {  	v35 =	vld [tilespmem:s23+$0xE030];
	v2 =	vadd.f32 v5, v2  }
0x255: {  	v54 =	vld [tilespmem:s23+$0x10010]  }
0x256: {  	v55 =	vld [tilespmem:s23+$0x10020];
	v2 =	vadd.f32 v7, v2  }
0x257: {  	v56 =	vld [tilespmem:s23+$0x10030]  }
0x258: {  	v57 =	vld [tilespmem:s23+$0x11010];
	v4 =	vadd.f32 v6, v4;
	v2 =	vadd.f32 v9, v2  }
0x259: {  	v58 =	vld [tilespmem:s23+$0x11020];
	v8 =	vadd.f32 v10, v8;
	v9 =	vadd.f32 v14, v12  }
0x25a: {  	v59 =	vld [tilespmem:s23+$0x12020];
	v4 =	vadd.f32 v16, v4;
	v2 =	vadd.f32 v11, v2  }
0x25b: {  	v3 =	vld [tilespmem:s23+$0xD010];
	v8 =	vadd.f32 v18, v8;
	v9 =	vadd.f32 v20, v9  }
0x25c: {  	v5 =	vld [tilespmem:s23+$0xD030];
	v4 =	vadd.f32 v22, v4;
	v2 =	vadd.f32 v13, v2  }
0x25d: {  	v6 =	vld [tilespmem:s23+$0xF010];
	v8 =	vadd.f32 v24, v8;
	v9 =	vadd.f32 v26, v9  }
0x25e: {  	v7 =	vld [tilespmem:s23+$0xE020];
	v4 =	vadd.f32 v28, v4;
	v2 =	vadd.f32 v15, v2  }
0x25f: {  	v10 =	vld [tilespmem:s23+$0xF020];
	v8 =	vadd.f32 v30, v8;
	v9 =	vadd.f32 v32, v9  }
0x260: {  	v11 =	vld [tilespmem:s23+$0xF030];
	v3 =	vadd.f32 v3, v4;
	v2 =	vadd.f32 v17, v2  }
0x261: {  	v60 =	vld [tilespmem:s23+$0x14010];
	v8 =	vadd.f32 v33, v8;
	v5 =	vadd.f32 v5, v9  }
0x262: {  	v61 =	vld [tilespmem:s23+$0x14020];
	v3 =	vadd.f32 v34, v3;
	v2 =	vadd.f32 v19, v2  }
0x263: {  	v4 =	vld [tilespmem:s23+$0x11030];
	v7 =	vadd.f32 v7, v8;
	v5 =	vadd.f32 v35, v5  }
0x264: {  	v8 =	vld [tilespmem:s23+$0x12030];
	v3 =	vadd.f32 v6, v3;
	v2 =	vadd.f32 v21, v2  }
0x265: {  	v7 =	vadd.f32 v10, v7;
	v9 =	vld [tilespmem:s23+$0x12010];
	v5 =	vadd.f32 v11, v5  }
0x266: {  	v6 =	vld [tilespmem:s23+$0x13010];
	v3 =	vadd.f32 v54, v3;
	v2 =	vadd.f32 v23, v2  }
0x267: {  	v10 =	vld [tilespmem:s23+$0x13020];
	v7 =	vadd.f32 v55, v7;
	v5 =	vadd.f32 v56, v5  }
0x268: {  	v3 =	vadd.f32 v57, v3;
	v11 =	vld [tilespmem:s23+$0x13030];
	v2 =	vadd.f32 v25, v2  }
0x269: {  	v62 =	vld [tilespmem:s23+$0x15030];
	v7 =	vadd.f32 v58, v7;
	v4 =	vadd.f32 v4, v5  }
0x26a: {  	v3 =	vadd.f32 v9, v3;
	v5 =	vld [tilespmem:s23+$0x14030];
	v2 =	vadd.f32 v27, v2  }
0x26b: {  	v7 =	vadd.f32 v59, v7;
	v9 =	vld [tilespmem:s23+$0x15010];
	v4 =	vadd.f32 v8, v4  }
0x26c: {  	v6 =	vadd.f32 v6, v3;
	v8 =	vld [tilespmem:s23+$0x15020];
	v2 =	vadd.f32 v29, v2  }
0x26d: {  	v7 =	vadd.f32 v10, v7;
	v3 =	vld [tilespmem:s23+$0x16010];
	v4 =	vadd.f32 v11, v4  }
0x26e: {  	v6 =	vadd.f32 v60, v6;
	v10 =	vadd.f32 v31, v2;
	v2 =	vld [tilespmem:s23+$0x16020]  }
0x26f: {  	v11 =	vadd.f32 v61, v7;
	v63 =	vadd.f32 v5, v4;
	v4 =	vld [tilespmem:s23+$0x16030]  }
0x270: {  	v7 =	vadd.f32 v9, v6;
	v5 =	vld [tilespmem:s23+$0x17010]  }
0x271: {  	s1 =	simm.s32 $0x100;
	v6 =	vld [tilespmem:s23+$0x17020];
	v8 =	vadd.f32 v8, v11;
	[tilespmem:s23+$0x18000] =	vst v10;
	v9 =	vadd.f32 v62, v63  }
.LBB2_23:
0x272: {  	s26 =	sadd.s32 $0x40, s26;
	s8 =	sshra.s32 s1, $0x2;
	v3 =	vadd.f32 v3, v7;
	v7 =	vld [tilespmem:s23+$0x17030]  }
0x273: {  	v10 =	vld [tilespmem:s8+$0x8000];
	s7 =	sand.u32 $0xFC0, s26;
	p2 =	slt.u32 s26, $0xFC0;
	v2 =	vadd.f32 v2, v8  }
0x274: {  	v8 =	vld [tilespmem:s7+$0x9000];
	v4 =	vadd.f32 v4, v9  }
0x275: {  	v9 =	vld [tilespmem:s8+$0x8010];
	v3 =	vadd.f32 v5, v3  }
0x276: {  	v5 =	vld [tilespmem:s7+$0xA000];
	v2 =	vadd.f32 v6, v2  }
0x277: {  	v6 =	vld [tilespmem:s8+$0x9010];
	[tilespmem:s23+$0x18010] =	vst v3;
	v3 =	vadd.f32 v7, v4  }
0x278: {  	v4 =	vld [tilespmem:s7+$0xB000];
	[tilespmem:s23+$0x18020] =	vst v2  }
0x279: {  	v2 =	vadd.f32 v8, v10;
	v7 =	vld [tilespmem:s8+$0x8020];
	[tilespmem:s23+$0x18030] =	vst v3;
	s23 =	smov.u32 s8  }
0x27a: {  	v3 =	vld [tilespmem:s7+$0xC000]  }
0x27b: {  	v2 =	vadd.f32 v5, v2;
	v5 =	vld [tilespmem:s23+$0x9020]  }
0x27c: {  	v8 =	vld [tilespmem:s7+$0xD000];
	v6 =	vadd.f32 v6, v9  }
0x27d: {  	v2 =	vadd.f32 v4, v2;
	v4 =	vld [tilespmem:s23+$0x8030]  }
0x27e: {  	v9 =	vld [tilespmem:s7+$0xE000]  }
0x27f: {  	v2 =	vadd.f32 v3, v2;
	v3 =	vld [tilespmem:s23+$0x9030]  }
0x280: {  	v10 =	vld [tilespmem:s7+$0xF000];
	v5 =	vadd.f32 v5, v7  }
0x281: {  	v2 =	vadd.f32 v8, v2;
	v7 =	vld [tilespmem:s23+$0xA010]  }
0x282: {  	v8 =	vld [tilespmem:s7+$0x10000]  }
0x283: {  	v2 =	vadd.f32 v9, v2;
	v9 =	vld [tilespmem:s23+$0xA020]  }
0x284: {  	v11 =	vld [tilespmem:s7+$0x11000];
	v3 =	vadd.f32 v3, v4  }
0x285: {  	v2 =	vadd.f32 v10, v2;
	v4 =	vld [tilespmem:s23+$0xA030]  }
0x286: {  	v10 =	vld [tilespmem:s7+$0x12000];
	v6 =	vadd.f32 v7, v6  }
0x287: {  	v2 =	vadd.f32 v8, v2;
	v7 =	vld [tilespmem:s23+$0xB010]  }
0x288: {  	v8 =	vld [tilespmem:s7+$0x13000];
	v5 =	vadd.f32 v9, v5  }
0x289: {  	v2 =	vadd.f32 v11, v2;
	v9 =	vld [tilespmem:s23+$0xB020]  }
0x28a: {  	v11 =	vld [tilespmem:s7+$0x14000];
	v3 =	vadd.f32 v4, v3  }
0x28b: {  	v2 =	vadd.f32 v10, v2;
	v4 =	vld [tilespmem:s23+$0xB030]  }
0x28c: {  	v10 =	vld [tilespmem:s7+$0x15000];
	v6 =	vadd.f32 v7, v6  }
0x28d: {  	v2 =	vadd.f32 v8, v2;
	v7 =	vld [tilespmem:s23+$0xC010]  }
0x28e: {  	v8 =	vld [tilespmem:s7+$0x16000];
	v5 =	vadd.f32 v9, v5  }
0x28f: {  	v2 =	vadd.f32 v11, v2;
	v9 =	vld [tilespmem:s23+$0xC020]  }
0x290: {  	v11 =	vld [tilespmem:s7+$0x17000];
	v3 =	vadd.f32 v4, v3  }
0x291: {  	v2 =	vadd.f32 v10, v2;
	v4 =	vld [tilespmem:s23+$0xC030]  }
0x292: {  	v6 =	vadd.f32 v7, v6;
	v7 =	vld [tilespmem:s23+$0xD010]  }
0x293: {  	v2 =	vadd.f32 v8, v2;
	v8 =	vld [tilespmem:s23+$0xD020]  }
0x294: {  	v5 =	vadd.f32 v9, v5;
	v9 =	vld [tilespmem:s23+$0xD030]  }
0x295: {  	v2 =	vadd.f32 v11, v2;
	v10 =	vld [tilespmem:s23+$0xE010]  }
0x296: {  	v11 =	vld [tilespmem:s23+$0xE020];
	v3 =	vadd.f32 v4, v3  }
0x297: {  	[tilespmem:s23+$0x18000] =	vst v2;
	v2 =	vadd.f32 v7, v6;
	v4 =	vld [tilespmem:s23+$0xE030]  }
0x298: {  	v6 =	vld [tilespmem:s23+$0xF010];
	v5 =	vadd.f32 v8, v5  }
0x299: {  	v7 =	vld [tilespmem:s23+$0xF020];
	v3 =	vadd.f32 v9, v3  }
0x29a: {  	v2 =	vadd.f32 v10, v2;
	v8 =	vld [tilespmem:s23+$0xF030]  }
0x29b: {  	v9 =	vld [tilespmem:s23+$0x10010];
	v5 =	vadd.f32 v11, v5  }
0x29c: {  	v10 =	vld [tilespmem:s23+$0x10020];
	v3 =	vadd.f32 v4, v3  }
0x29d: {  	v2 =	vadd.f32 v6, v2;
	v4 =	vld [tilespmem:s23+$0x10030]  }
0x29e: {  	v6 =	vld [tilespmem:s23+$0x11010];
	v5 =	vadd.f32 v7, v5  }
0x29f: {  	v7 =	vld [tilespmem:s23+$0x11020];
	v3 =	vadd.f32 v8, v3  }
0x2a0: {  	v2 =	vadd.f32 v9, v2;
	v8 =	vld [tilespmem:s23+$0x11030]  }
0x2a1: {  	v9 =	vld [tilespmem:s23+$0x12010];
	v5 =	vadd.f32 v10, v5  }
0x2a2: {  	v10 =	vld [tilespmem:s23+$0x12020];
	v3 =	vadd.f32 v4, v3  }
0x2a3: {  	v2 =	vadd.f32 v6, v2;
	v4 =	vld [tilespmem:s23+$0x12030]  }
0x2a4: {  	v6 =	vld [tilespmem:s23+$0x13010];
	v5 =	vadd.f32 v7, v5  }
0x2a5: {  	v7 =	vld [tilespmem:s23+$0x13020];
	v3 =	vadd.f32 v8, v3  }
0x2a6: {  	v2 =	vadd.f32 v9, v2;
	v8 =	vld [tilespmem:s23+$0x13030]  }
0x2a7: {  	v9 =	vld [tilespmem:s23+$0x14010];
	v5 =	vadd.f32 v10, v5  }
0x2a8: {  	v10 =	vld [tilespmem:s23+$0x14020];
	v3 =	vadd.f32 v4, v3  }
0x2a9: {  	v2 =	vadd.f32 v6, v2;
	v4 =	vld [tilespmem:s23+$0x14030]  }
0x2aa: {  	v6 =	vld [tilespmem:s23+$0x15010];
	v5 =	vadd.f32 v7, v5  }
0x2ab: {  	v11 =	vld [tilespmem:s23+$0x15020];
	v7 =	vadd.f32 v8, v3  }
0x2ac: {  	v8 =	vadd.f32 v9, v2;
	v9 =	vld [tilespmem:s23+$0x15030]  }
.Ltmp13:
0x2ad: {  	v3 =	vld [tilespmem:s23+$0x16010];
	v10 =	vadd.f32 v10, v5;
	(pc) =	sbr.rel @p2 .LBB2_23-.Ltmp13, $4  }
0x2ae: {  	v2 =	vld [tilespmem:s23+$0x16020];
	v12 =	vadd.f32 v4, v7  }
0x2af: {  	v7 =	vadd.f32 v6, v8;
	v4 =	vld [tilespmem:s23+$0x16030]  }
0x2b0: {  	v5 =	vld [tilespmem:s23+$0x17010];
	v8 =	vadd.f32 v11, v10  }
0x2b1: {  	s1 =	sadd.s32 $0x100, s1;
	v6 =	vld [tilespmem:s23+$0x17020];
	v9 =	vadd.f32 v9, v12  }
0x2b2: {  	v10 =	vld [tilespmem:s23+$0x17030]  }
0x2b3: {  	v3 =	vadd.f32 v3, v7  }
0x2b4: {  	v2 =	vadd.f32 v2, v8  }
0x2b5: {  	v4 =	vadd.f32 v4, v9;
	v3 =	vadd.f32 v5, v3  }
0x2b6: {  	v2 =	vadd.f32 v6, v2  }
0x2b7: {  	[tilespmem:s23+$0x18010] =	vst v3;
	v3 =	vadd.f32 v10, v4  }
0x2b8: {  	[tilespmem:s23+$0x18020] =	vst v2  }
0x2b9: {  	[tilespmem:s23+$0x18030] =	vst v3  }
0x2ba: {  	s7 =	simm.s32 $0x100;
	s8 =	simm.s32 $0x18000;
	s1 =	rddreg [dreg:$0x11]  }
0x2bb: {  	[hbm4b:s1+s31] =	stream.strided.scatter [tilespmem:s8], [sflag:$0x4], $0x1000, s7, s31, $0x38;
	[tilespmem:$0x1FE00] =	vst v63  }
0x2bc: {  	_ =	swait.ge [sflag:s30], $0x1000  }
0x2bd: {  	s4 =	sadd.s32 $0x1, s4;
	s28 =	rddreg [dreg:$0x12]  }
0x2be: {  	p2 =	sne.s32 s4, s28  }
.Ltmp14:
0x2bf: {  	_ = 	snop;
	(pc) =	sbr.rel @p2 .LBB2_1-.Ltmp14, $3  }
0x2c0: {  	_ =	sdelay $0x1  }
0x2c1: {  	[sflag:s30] =	ssyncset.done $0x0  }
0x2c2: {  	[sflag:s30] =	ssyncadd.s32 $0xFFFFF000  }
0x2c3: {  	_ =	sfence.sel $0x180000  }
0x2c4: {  	[bflag:$0x0] =	sbarrier.arrive $0xFFFF  }
0x2c5: {  	_ =	strace $0x90000047  }
0x2c6: {  	s0 =	stileid.u32;
	[bflag:$0x2] =	sbarrier.arrive $0xFFFF  }
0x2c7: {  	p0 =	sne.s32 s0, $0x0;
	s0 =	rddreg [dreg:$0x5]  }
0x2c8: {  	s0 =	sadd.s32 @!p0 $0x100000, s0  }
0x2c9: {  	[sflag:s0] =	ssyncadd.tile.s32 @!p0 $0x1;
	_ =	shalt  }
.Lfunc_end2:
_tile_overlayer_lowered:
.L_overlay_start_2:
0x2ca: {  	(tag) =	ssettag $0x2  }
0x2cb: {  	s0 =	rddreg [dreg:$0x0];
	s2 =	stileid.u32  }
0x2cc: {  	s1 =	rddreg [dreg:$0x1];
	p0 =	sne.s32 s2, $0x0  }
0x2cd: {  	s3 =	rddreg [dreg:$0x2];
	[bflag:$0x3] =	sbarrier.arrive $0xFFFF;
	s2 =	simm.s32 @!p0 $0x1C04  }
0x2ce: {  	[timem:s3], [sflag:s2] =	dma.local @!p0 [hbm:s0], s1  }
0x2cf: {  	s0 =	simm.s32 @!p0 $0x4  }
0x2d0: {  	_ =	swait.ge @!p0 [sflag:s0], s1  }
0x2d1: {  	s1 =	ssub.s32 @!p0 $0x0, s1;
	[sflag:s0] =	ssyncset.done @!p0 $0x0  }
0x2d2: {  	[sflag:s0] =	ssyncadd.s32 @!p0 s1  }
0x2d3: {  	[bflag:$0x3] =	sbarrier.arrive $0xFFFF  }
0x2d4: {  	_ =	shalt  }

</sc_bundles>
